<compile_context>
chip_gen: v7x
topology: tpu7x:2x2x1
jax: 0.10.2.dev20260603
libtpu: 0.0.44.dev20260713+nightly
codegen_flags: <defaults>
</compile_context>

<pallas_src>
import functools

import jax
import jax.numpy as jnp
from jax import lax
from jax.experimental import pallas as pl
from jax.experimental.pallas import tpu as pltpu
from jax.experimental.pallas import tpu_sc as plsc

_B = 16
_T = 1024
_TOKENS = _B * _T
_DIM = 64
_CODES = 1024

_BATCH_PER_BLOCK = 8
_NUM_BLOCKS = _B // _BATCH_PER_BLOCK

_NUM_WORKERS = 32
_ROWS_PER_WORKER = _TOKENS // _NUM_WORKERS
_SPLIT = _T // _ROWS_PER_WORKER


def _argmin_body(zt_ref, et_ref, ind_ref, acc_ref):
    et = et_ref[...]
    en = jnp.sum(et * et, axis=0, keepdims=True).T
    et2 = et + et
    rev = jnp.float32(_CODES) - lax.broadcasted_iota(
        jnp.int32, (_CODES, 1), 0
    ).astype(jnp.float32)

    @pl.when(pl.program_id(0) == 0)
    def _init():
        acc_ref[0, 0] = 0.0

    for r in range(_BATCH_PER_BLOCK):
        zt = zt_ref[r]
        zg2 = lax.dot_general(
            et2, zt, (((0,), (0,)), ((), ())),
            preferred_element_type=jnp.float32,
        )
        rn = jnp.sum(zt * zt, axis=0, keepdims=True)
        dist = (rn - zg2) + en
        m = jnp.min(dist, axis=0, keepdims=True)
        picked = jnp.max(jnp.where(dist == m, rev, 0.0), axis=0)
        ind = _CODES - picked.astype(jnp.int32)
        ind_ref[r] = ind.reshape(1, _T)
        acc_ref[0, 0] += jnp.sum(m)


def _tc_argmin(zt, et):
    return pl.pallas_call(
        _argmin_body,
        grid=(_NUM_BLOCKS,),
        in_specs=[
            pl.BlockSpec((_BATCH_PER_BLOCK, _DIM, _T), lambda i: (i, 0, 0)),
            pl.BlockSpec((_DIM, _CODES), lambda i: (0, 0)),
        ],
        out_specs=[
            pl.BlockSpec((_BATCH_PER_BLOCK, 1, _T), lambda i: (i, 0, 0)),
            pl.BlockSpec((1, 1), lambda i: (0, 0), memory_space=pltpu.SMEM),
        ],
        out_shape=[
            jax.ShapeDtypeStruct((_B, 1, _T), jnp.int32),
            jax.ShapeDtypeStruct((1, 1), jnp.float32),
        ],
    )(zt, et)


@functools.cache
def _build_sc_gather():
    @functools.partial(
        pl.kernel,
        out_type=jax.ShapeDtypeStruct((_B, _DIM, _T), jnp.float32),
        mesh=plsc.VectorSubcoreMesh(core_axis_name="c", subcore_axis_name="s"),
        scratch_types=[
            pltpu.VMEM((_ROWS_PER_WORKER,), jnp.int32),
            pltpu.VMEM((_ROWS_PER_WORKER, _DIM), jnp.float32),
            pltpu.VMEM((_DIM, _ROWS_PER_WORKER + 8), jnp.float32),
            pltpu.SemaphoreType.DMA,
        ],
        compiler_params=pltpu.CompilerParams(
            use_tc_tiling_on_sc=False, needs_layout_passes=False
        ),
    )
    def _sc_gather(table_hbm, idx_hbm, out_hbm, idx_v, rows_v, rows_t, sem):
        wid = lax.axis_index("s") * 2 + lax.axis_index("c")
        base = wid * _ROWS_PER_WORKER
        pltpu.sync_copy(idx_hbm.at[pl.ds(base, _ROWS_PER_WORKER)], idx_v)
        pltpu.async_copy(table_hbm.at[idx_v], rows_v, sem).wait()
        lane = lax.iota(jnp.int32, 16)
        d_idx = [lane + 16 * k for k in range(_DIM // 16)]

        @plsc.parallel_loop(0, _ROWS_PER_WORKER, unroll=4)
        def _tok(t):
            t_col = jnp.zeros((16,), jnp.int32) + t
            for k in range(_DIM // 16):
                v = rows_v[t, pl.ds(16 * k, 16)]
                plsc.store_scatter(rows_t, [d_idx[k], t_col], v)

        b = wid // _SPLIT
        col = (wid % _SPLIT) * _ROWS_PER_WORKER
        pltpu.sync_copy(
            rows_t.at[:, pl.ds(0, _ROWS_PER_WORKER)],
            out_hbm.at[b, :, pl.ds(col, _ROWS_PER_WORKER)],
        )

    return _sc_gather


def kernel(z_e, embed_weight):
    zt = lax.transpose(z_e, (0, 2, 1))
    et = lax.transpose(embed_weight, (1, 0))
    ind3, dist_sum = _tc_argmin(zt, et)
    ind_flat = ind3.reshape(-1)
    zq_t = _build_sc_gather()(embed_weight, ind_flat)
    z_q = lax.transpose(zq_t, (0, 2, 1))
    diff = (1.25 / z_e.size) * dist_sum[0, 0]
    embed_ind = ind3.reshape(_B, _T)
    return (z_q, diff, embed_ind)

# --- scband reference (transcript-rebuilt; emitter-appended) ---
"""Pipeline reference for scband-emaquantizer-76716705841361 (READ-ONLY COPY).

The authoritative reference and input builder live on the scoring server;
editing this copy changes nothing except your own understanding.
"""

import jax, jax.numpy as jnp
import numpy as np


def setup_inputs(seed: int = 0) -> dict:
    key = jax.random.key(seed)
    k1, k2 = jax.random.split(key)
    z_e = jax.random.normal(k1, (16, 1024, 64), dtype=jnp.float32)
    embed_weight = jax.random.normal(k2, (1024, 64), dtype=jnp.float32) * 0.02
    return {"z_e": z_e, "embed_weight": embed_weight}


def reference(z_e, embed_weight):
    # eval-mode forward of EMAQuantizer (EMA buffer updates are training-only side effects)
    n_embed, embedding_dim = embed_weight.shape
    flatten = z_e.reshape(-1, embedding_dim)
    dist = (
        jnp.sum(flatten ** 2, axis=1, keepdims=True)
        - 2.0 * (flatten @ embed_weight.T)
        + jnp.sum(embed_weight ** 2, axis=1, keepdims=True).T
    )
    embed_ind_flat = jnp.argmax(-dist, axis=1)
    embed_ind = embed_ind_flat.reshape(z_e.shape[:-1])
    # embed_code: embedding lookup (gather)
    z_q = jnp.take(embed_weight, embed_ind, axis=0)
    commitment_cost = 0.25
    diff = (
        commitment_cost * jnp.mean((jax.lax.stop_gradient(z_q) - z_e) ** 2)
        + jnp.mean((z_q - jax.lax.stop_gradient(z_e)) ** 2)
    )
    # straight-through estimator
    z_q = z_e + jax.lax.stop_gradient(z_q - z_e)
    return (z_q, diff, embed_ind)

if __name__ == "__main__":
    import jax
    _d = setup_inputs()
    print(jax.jit(kernel)(*tuple(_d.values())))

</pallas_src>

<mosaic_0001>
#map = affine_map<(d0, d1) -> (0, 0)>
#map1 = affine_map<(d0, d1) -> (0)>
#map2 = affine_map<(d0, d1) -> (0, 0, 0)>
module attributes {stable_mosaic.version = 14 : i64} {
  func.func @_sc_gather(%arg0: i32, %arg1: i32, %arg2: memref<1024x64xf32, #tpu.memory_space<hbm>>, %arg3: memref<16384xi32, #tpu.memory_space<hbm>>, %arg4: memref<16x64x1024xf32, #tpu.memory_space<hbm>>, %arg5: memref<512xi32, #tpu.memory_space<vmem>>, %arg6: memref<512x64xf32, #tpu.memory_space<vmem>>, %arg7: memref<64x520xf32, #tpu.memory_space<vmem>>, %arg8: memref<!tpu.dma_semaphore, #tpu.memory_space<semaphore_mem>>) attributes {dimension_semantics = [#tpu.dimension_semantics<core_parallel>, #tpu.dimension_semantics<subcore_parallel>], iteration_bounds = array<i64: 2, 16>, scalar_prefetch = 0 : i64, scratch_operands = 4 : i64, tpu.core_type = #tpu.core_type<sc_vector_subcore>, window_params = [{transform_indices = #map}, {transform_indices = #map1}, {transform_indices = #map2}]} {
    %mul3A = arith.constant 2 : i32
    %mul3A_0 = arith.muli %arg1, %mul3A : i32
    %add3A = arith.addi %mul3A_0, %arg0 : i32
    %mul3A_1 = arith.constant 512 : i32
    %mul3A_2 = arith.muli %add3A, %mul3A_1 : i32
    "tpu.region"() ({
      %run_scoped3A = tpu.sem_alloc : memref<!tpu.dma_semaphore, #tpu.memory_space<semaphore_mem>>
      %dma_start3A_53 = tpu.memref_slice %arg3[%mul3A_2] : memref<16384xi32, #tpu.memory_space<hbm>> -> memref<512xi32, #tpu.memory_space<hbm>>
      %dma_start3A_54 = tpu.memref_slice %arg3[%mul3A_2] : memref<16384xi32, #tpu.memory_space<hbm>> -> memref<512xi32, #tpu.memory_space<hbm>>
      tpu.enqueue_dma source(%dma_start3A_54 : memref<512xi32, #tpu.memory_space<hbm>>) target(%arg5 : memref<512xi32, #tpu.memory_space<vmem>>) target_semaphore(%run_scoped3A : memref<!tpu.dma_semaphore, #tpu.memory_space<semaphore_mem>>)
      %dma_wait3A_55 = tpu.memref_slice %arg3[%mul3A_2] : memref<16384xi32, #tpu.memory_space<hbm>> -> memref<512xi32, #tpu.memory_space<hbm>>
      %dma_wait3A_56 = tpu.memref_slice %arg3[%mul3A_2] : memref<16384xi32, #tpu.memory_space<hbm>> -> memref<512xi32, #tpu.memory_space<hbm>>
      tpu.wait_dma2 semaphore(%run_scoped3A : memref<!tpu.dma_semaphore, #tpu.memory_space<semaphore_mem>>) src(%dma_wait3A_56 : memref<512xi32, #tpu.memory_space<hbm>>) dst(%arg5 : memref<512xi32, #tpu.memory_space<vmem>>)
      tpu.yield
    }) : () -> ()
    %dma_start3A = arith.constant 0 : i32
    %dma_start3A_3 = arith.constant 0 : i32
    %dma_start3A_4 = tpu.memref_slice %arg2[%dma_start3A, %dma_start3A_3] : memref<1024x64xf32, #tpu.memory_space<hbm>> -> memref<1024x64xf32, #tpu.memory_space<hbm>>
    tpu.enqueue_indirect_dma source(%dma_start3A_4 : memref<1024x64xf32, #tpu.memory_space<hbm>>) target(%arg6 : memref<512x64xf32, #tpu.memory_space<vmem>>) offsets(%arg5 : memref<512xi32, #tpu.memory_space<vmem>>) semaphore(%arg8 : memref<!tpu.dma_semaphore, #tpu.memory_space<semaphore_mem>>)
    %dma_wait3A = arith.constant 0 : i32
    %dma_wait3A_5 = arith.constant 0 : i32
    %dma_wait3A_6 = tpu.memref_slice %arg2[%dma_wait3A, %dma_wait3A_5] : memref<1024x64xf32, #tpu.memory_space<hbm>> -> memref<1024x64xf32, #tpu.memory_space<hbm>>
    tpu.wait_indirect_dma semaphore(%arg8 : memref<!tpu.dma_semaphore, #tpu.memory_space<semaphore_mem>>) src(%dma_wait3A_6 : memref<1024x64xf32, #tpu.memory_space<hbm>>) dst(%arg6 : memref<512x64xf32, #tpu.memory_space<vmem>>)
    %iota3A = tpu.iota {dimensions = array<i32: 0>} : vector<16xi32>
    %add3A_7 = arith.constant 0 : i32
    %add3A_8 = vector.broadcast %add3A_7 : i32 to vector<16xi32>
    %add3A_9 = arith.addi %iota3A, %add3A_8 : vector<16xi32>
    %add3A_10 = arith.constant 16 : i32
    %add3A_11 = vector.broadcast %add3A_10 : i32 to vector<16xi32>
    %add3A_12 = arith.addi %iota3A, %add3A_11 : vector<16xi32>
    %add3A_13 = arith.constant 32 : i32
    %add3A_14 = vector.broadcast %add3A_13 : i32 to vector<16xi32>
    %add3A_15 = arith.addi %iota3A, %add3A_14 : vector<16xi32>
    %add3A_16 = arith.constant 48 : i32
    %add3A_17 = vector.broadcast %add3A_16 : i32 to vector<16xi32>
    %add3A_18 = arith.addi %iota3A, %add3A_17 : vector<16xi32>
    %parallel_loop3A = arith.constant 0 : i32
    %parallel_loop3A_19 = arith.constant 512 : i32
    %parallel_loop3A_20 = arith.constant 1 : i32
    scf.for %parallel_loop3A_53 = %parallel_loop3A to %parallel_loop3A_19 step %parallel_loop3A_20  : i32 {
      %parallel_loop3A_54 = arith.constant 0 : i32
      %parallel_loop3A_55 = vector.broadcast %parallel_loop3A_54 : i32 to vector<16xi32>
      %parallel_loop3A_56 = vector.broadcast %parallel_loop3A_53 : i32 to vector<16xi32>
      %parallel_loop3A_57 = arith.addi %parallel_loop3A_55, %parallel_loop3A_56 : vector<16xi32>
      %parallel_loop3A_58 = arith.index_cast %parallel_loop3A_53 : i32 to index
      %parallel_loop3A_59 = arith.constant 0 : index
      %parallel_loop3A_60 = tpu.vector_load %arg6[%parallel_loop3A_58, %parallel_loop3A_59] {strides = array<i32>} : memref<512x64xf32, #tpu.memory_space<vmem>>, vector<16xf32>,
      tpu.vector_store_idx %arg7[%add3A_9, %parallel_loop3A_57], %parallel_loop3A_60 : memref<64x520xf32, #tpu.memory_space<vmem>>[vector<16xi32>, vector<16xi32>], vector<16xf32>,
      %parallel_loop3A_61 = arith.index_cast %parallel_loop3A_53 : i32 to index
      %parallel_loop3A_62 = arith.constant 16 : index
      %parallel_loop3A_63 = tpu.vector_load %arg6[%parallel_loop3A_61, %parallel_loop3A_62] {strides = array<i32>} : memref<512x64xf32, #tpu.memory_space<vmem>>, vector<16xf32>,
      tpu.vector_store_idx %arg7[%add3A_12, %parallel_loop3A_57], %parallel_loop3A_63 : memref<64x520xf32, #tpu.memory_space<vmem>>[vector<16xi32>, vector<16xi32>], vector<16xf32>,
      %parallel_loop3A_64 = arith.index_cast %parallel_loop3A_53 : i32 to index
      %parallel_loop3A_65 = arith.constant 32 : index
      %parallel_loop3A_66 = tpu.vector_load %arg6[%parallel_loop3A_64, %parallel_loop3A_65] {strides = array<i32>} : memref<512x64xf32, #tpu.memory_space<vmem>>, vector<16xf32>,
      tpu.vector_store_idx %arg7[%add3A_15, %parallel_loop3A_57], %parallel_loop3A_66 : memref<64x520xf32, #tpu.memory_space<vmem>>[vector<16xi32>, vector<16xi32>], vector<16xf32>,
      %parallel_loop3A_67 = arith.index_cast %parallel_loop3A_53 : i32 to index
      %parallel_loop3A_68 = arith.constant 48 : index
      %parallel_loop3A_69 = tpu.vector_load %arg6[%parallel_loop3A_67, %parallel_loop3A_68] {strides = array<i32>} : memref<512x64xf32, #tpu.memory_space<vmem>>, vector<16xf32>,
      tpu.vector_store_idx %arg7[%add3A_18, %parallel_loop3A_57], %parallel_loop3A_69 : memref<64x520xf32, #tpu.memory_space<vmem>>[vector<16xi32>, vector<16xi32>], vector<16xf32>,
    } {sc.loop_unroll_factor = 4 : i64, sc.parallel_access}
    %jit3A = arith.constant 2 : i32
    %div3A = arith.divsi %add3A, %jit3A : i32
    %sign3A = arith.constant 0 : i32
    %sign3A_21 = arith.cmpi sgt, %add3A, %sign3A : i32
    %sign3A_22 = arith.extui %sign3A_21 : i1 to i32
    %sign3A_23 = arith.constant 0 : i32
    %sign3A_24 = arith.cmpi slt, %add3A, %sign3A_23 : i32
    %sign3A_25 = arith.extui %sign3A_24 : i1 to i32
    %sign3A_26 = arith.subi %sign3A_22, %sign3A_25 : i32
    %sign3A_27 = arith.constant 0 : i32
    %sign3A_28 = arith.cmpi sgt, %jit3A, %sign3A_27 : i32
    %sign3A_29 = arith.extui %sign3A_28 : i1 to i32
    %sign3A_30 = arith.constant 0 : i32
    %sign3A_31 = arith.cmpi slt, %jit3A, %sign3A_30 : i32
    %sign3A_32 = arith.extui %sign3A_31 : i1 to i32
    %sign3A_33 = arith.subi %sign3A_29, %sign3A_32 : i32
    %ne3A = arith.cmpi ne, %sign3A_26, %sign3A_33 : i32
    %rem3A = arith.remsi %add3A, %jit3A : i32
    %ne3A_34 = arith.constant 0 : i32
    %ne3A_35 = arith.cmpi ne, %rem3A, %ne3A_34 : i32
    %and3A = arith.andi %ne3A, %ne3A_35 : i1
    %sub3A = arith.constant 1 : i32
    %sub3A_36 = arith.subi %div3A, %sub3A : i32
    %select_n3A = arith.select %and3A, %sub3A_36, %div3A : i32
    %jit3A_37 = arith.constant 2 : i32
    %eq3A = arith.constant 0 : i32
    %eq3A_38 = arith.cmpi eq, %jit3A_37, %eq3A : i32
    %jit3A_39 = arith.constant 1 : i32
    %select_n3A_40 = arith.select %eq3A_38, %jit3A_39, %jit3A_37 : i32
    %rem3A_41 = arith.remsi %add3A, %select_n3A_40 : i32
    %ne3A_42 = arith.constant 0 : i32
    %ne3A_43 = arith.cmpi ne, %rem3A_41, %ne3A_42 : i32
    %lt3A = arith.constant 0 : i32
    %lt3A_44 = arith.cmpi slt, %rem3A_41, %lt3A : i32
    %lt3A_45 = arith.constant 0 : i32
    %lt3A_46 = arith.cmpi slt, %select_n3A_40, %lt3A_45 : i32
    %ne3A_47 = arith.xori %lt3A_44, %lt3A_46 : i1
    %and3A_48 = arith.andi %ne3A_47, %ne3A_43 : i1
    %add3A_49 = arith.addi %rem3A_41, %select_n3A_40 : i32
    %select_n3A_50 = arith.select %and3A_48, %add3A_49, %rem3A_41 : i32
    %mul3A_51 = arith.constant 512 : i32
    %mul3A_52 = arith.muli %select_n3A_50, %mul3A_51 : i32
    "tpu.region"() ({
      %run_scoped3A = tpu.sem_alloc : memref<!tpu.dma_semaphore, #tpu.memory_space<semaphore_mem>>
      %dma_start3A_53 = arith.constant 0 : i32
      %dma_start3A_54 = arith.constant 0 : i32
      %dma_start3A_55 = tpu.memref_slice %arg7[%dma_start3A_53, %dma_start3A_54] : memref<64x520xf32, #tpu.memory_space<vmem>> -> memref<64x512xf32, #tpu.memory_space<vmem>>
      %dma_start3A_56 = arith.constant 0 : i32
      %dma_start3A_57 = tpu.memref_slice %arg4[%select_n3A, %dma_start3A_56, %mul3A_52] : memref<16x64x1024xf32, #tpu.memory_space<hbm>> -> memref<1x64x512xf32, #tpu.memory_space<hbm>>
      %dma_start3A_58 = tpu.memref_squeeze %dma_start3A_57 : memref<1x64x512xf32, #tpu.memory_space<hbm>> -> memref<64x512xf32, #tpu.memory_space<hbm>>
      %dma_start3A_59 = arith.constant 0 : i32
      %dma_start3A_60 = tpu.memref_slice %arg4[%select_n3A, %dma_start3A_59, %mul3A_52] : memref<16x64x1024xf32, #tpu.memory_space<hbm>> -> memref<1x64x512xf32, #tpu.memory_space<hbm>>
      %dma_start3A_61 = tpu.memref_squeeze %dma_start3A_60 : memref<1x64x512xf32, #tpu.memory_space<hbm>> -> memref<64x512xf32, #tpu.memory_space<hbm>>
      %dma_start3A_62 = arith.constant 0 : i32
      %dma_start3A_63 = arith.constant 0 : i32
      %dma_start3A_64 = tpu.memref_slice %arg7[%dma_start3A_62, %dma_start3A_63] : memref<64x520xf32, #tpu.memory_space<vmem>> -> memref<64x512xf32, #tpu.memory_space<vmem>>
      tpu.enqueue_dma source(%dma_start3A_64 : memref<64x512xf32, #tpu.memory_space<vmem>>) target(%dma_start3A_61 : memref<64x512xf32, #tpu.memory_space<hbm>>) target_semaphore(%run_scoped3A : memref<!tpu.dma_semaphore, #tpu.memory_space<semaphore_mem>>)
      %dma_wait3A_65 = arith.constant 0 : i32
      %dma_wait3A_66 = arith.constant 0 : i32
      %dma_wait3A_67 = tpu.memref_slice %arg7[%dma_wait3A_65, %dma_wait3A_66] : memref<64x520xf32, #tpu.memory_space<vmem>> -> memref<64x512xf32, #tpu.memory_space<vmem>>
      %dma_wait3A_68 = arith.constant 0 : i32
      %dma_wait3A_69 = tpu.memref_slice %arg4[%select_n3A, %dma_wait3A_68, %mul3A_52] : memref<16x64x1024xf32, #tpu.memory_space<hbm>> -> memref<1x64x512xf32, #tpu.memory_space<hbm>>
      %dma_wait3A_70 = tpu.memref_squeeze %dma_wait3A_69 : memref<1x64x512xf32, #tpu.memory_space<hbm>> -> memref<64x512xf32, #tpu.memory_space<hbm>>
      %dma_wait3A_71 = arith.constant 0 : i32
      %dma_wait3A_72 = tpu.memref_slice %arg4[%select_n3A, %dma_wait3A_71, %mul3A_52] : memref<16x64x1024xf32, #tpu.memory_space<hbm>> -> memref<1x64x512xf32, #tpu.memory_space<hbm>>
      %dma_wait3A_73 = tpu.memref_squeeze %dma_wait3A_72 : memref<1x64x512xf32, #tpu.memory_space<hbm>> -> memref<64x512xf32, #tpu.memory_space<hbm>>
      %dma_wait3A_74 = arith.constant 0 : i32
      %dma_wait3A_75 = arith.constant 0 : i32
      %dma_wait3A_76 = tpu.memref_slice %arg7[%dma_wait3A_74, %dma_wait3A_75] : memref<64x520xf32, #tpu.memory_space<vmem>> -> memref<64x512xf32, #tpu.memory_space<vmem>>
      tpu.wait_dma2 semaphore(%run_scoped3A : memref<!tpu.dma_semaphore, #tpu.memory_space<semaphore_mem>>) src(%dma_wait3A_76 : memref<64x512xf32, #tpu.memory_space<vmem>>) dst(%dma_wait3A_73 : memref<64x512xf32, #tpu.memory_space<hbm>>)
      tpu.yield
    }) : () -> ()
    return
  }
}

module attributes {stable_mosaic.version = 14 : i64} {
  func.func @_argmin_body(%arg0: i32, %arg1: memref<8x64x1024xf32, #tpu.memory_space<vmem>>, %arg2: memref<64x1024xf32, #tpu.memory_space<vmem>>, %arg3: memref<8x1x1024xi32, #tpu.memory_space<vmem>>, %arg4: memref<1x1xf32, #tpu.memory_space<smem>>) attributes {dimension_semantics = [#tpu.dimension_semantics<arbitrary>], iteration_bounds = array<i64: 2>, scalar_prefetch = 0 : i64, scratch_operands = 0 : i64, tpu.core_type = #tpu.core_type<tc>, window_params = [{transform_indices = @transform_0, window_bounds = array<i64: 8, 64, 1024>}, {pipeline_mode = #tpu.pipeline_mode<synchronous>, transform_indices = @transform_1, window_bounds = array<i64: 64, 1024>}, {transform_indices = @transform_2, window_bounds = array<i64: 8, 1, 1024>}, {transform_indices = @transform_3, window_bounds = array<i64: 1, 1>}]} {
    %get3A = arith.constant 0 : index
    %get3A_0 = arith.constant 0 : index
    %get3A_1 = vector.load %arg2[%get3A, %get3A_0] : memref<64x1024xf32, #tpu.memory_space<vmem>>, vector<64x1024xf32>
    %mul3A = arith.mulf %get3A_1, %get3A_1 : vector<64x1024xf32>
    %reduce_sum3A = arith.constant dense<0.000000e+00> : vector<1024xf32>
    %reduce_sum3A_2 = vector.multi_reduction <add>, %mul3A, %reduce_sum3A [0] : vector<64x1024xf32> to vector<1024xf32>
    %broadcast_in_dim3A = vector.shape_cast %reduce_sum3A_2 : vector<1024xf32> to vector<1x1024xf32>
    %transpose3A = tpu.transpose %broadcast_in_dim3A, [1, 0] : vector<1x1024xf32> -> vector<1024x1xf32>
    %add3A = arith.addf %get3A_1, %get3A_1 : vector<64x1024xf32>
    %iota3A = tpu.iota {dimensions = array<i32: 0>} : vector<1024x1xi32>
    %convert_element_type3A = arith.sitofp %iota3A : vector<1024x1xi32> to vector<1024x1xf32>
    %sub3A = arith.constant 1.024000e+03 : f32
    %sub3A_3 = vector.broadcast %sub3A : f32 to vector<1024x1xf32>
    %sub3A_4 = arith.subf %sub3A_3, %convert_element_type3A : vector<1024x1xf32>
    %eq3A = arith.constant 0 : i32
    %eq3A_5 = arith.cmpi eq, %arg0, %eq3A : i32
    %convert_element_type3A_6 = arith.extui %eq3A_5 : i1 to i32
    %cond3A = arith.constant 0 : i32
    %cond3A_7 = arith.cmpi ne, %convert_element_type3A_6, %cond3A : i32
    scf.if %cond3A_7 {
      %swap3A_401 = arith.constant 0.000000e+00 : f32
      %swap3A_402 = arith.constant 0 : index
      %swap3A_403 = arith.constant 0 : index
      %swap3A_404 = memref.load %arg4[%swap3A_402, %swap3A_403] : memref<1x1xf32, #tpu.memory_space<smem>>
      memref.store %swap3A_401, %arg4[%swap3A_402, %swap3A_403] : memref<1x1xf32, #tpu.memory_space<smem>>
    } else {
    }
    %get3A_8 = arith.constant 0 : index
    %get3A_9 = arith.constant 0 : index
    %get3A_10 = arith.constant 0 : index
    %get3A_11 = vector.load %arg1[%get3A_8, %get3A_9, %get3A_10] : memref<8x64x1024xf32, #tpu.memory_space<vmem>>, vector<1x64x1024xf32>
    %get3A_12 = vector.shape_cast %get3A_11 : vector<1x64x1024xf32> to vector<64x1024xf32>
    %dot_general3A = arith.constant dense<0.000000e+00> : vector<1024x1024xf32>
    %dot_general3A_13 = tpu.matmul %add3A, %get3A_12, %dot_general3A {dimension_numbers = #tpu.dot_dimension_numbers<[0], [0], [1], [1], [0, 1, 1, 1], [], []>, transpose_lhs_hint = false} : vector<64x1024xf32>, vector<64x1024xf32>, vector<1024x1024xf32> -> vector<1024x1024xf32>
    %mul3A_14 = arith.mulf %get3A_12, %get3A_12 : vector<64x1024xf32>
    %reduce_sum3A_15 = arith.constant dense<0.000000e+00> : vector<1024xf32>
    %reduce_sum3A_16 = vector.multi_reduction <add>, %mul3A_14, %reduce_sum3A_15 [0] : vector<64x1024xf32> to vector<1024xf32>
    %broadcast_in_dim3A_17 = vector.shape_cast %reduce_sum3A_16 : vector<1024xf32> to vector<1x1024xf32>
    %sub3A_18 = vector.broadcast %broadcast_in_dim3A_17 : vector<1x1024xf32> to vector<1024x1024xf32>
    %sub3A_19 = arith.subf %sub3A_18, %dot_general3A_13 : vector<1024x1024xf32>
    %add3A_20 = vector.broadcast %transpose3A : vector<1024x1xf32> to vector<1024x1024xf32>
    %add3A_21 = arith.addf %sub3A_19, %add3A_20 : vector<1024x1024xf32>
    %reduce_min3A = arith.constant dense<0x7F800000> : vector<1024xf32>
    %reduce_min3A_22 = vector.multi_reduction <minimumf>, %add3A_21, %reduce_min3A [0] : vector<1024x1024xf32> to vector<1024xf32>
    %broadcast_in_dim3A_23 = vector.shape_cast %reduce_min3A_22 : vector<1024xf32> to vector<1x1024xf32>
    %eq3A_24 = vector.broadcast %broadcast_in_dim3A_23 : vector<1x1024xf32> to vector<1024x1024xf32>
    %eq3A_25 = arith.cmpf oeq, %add3A_21, %eq3A_24 : vector<1024x1024xf32>
    %jit3A = arith.constant 0.000000e+00 : f32
    %broadcast_in_dim3A_26 = vector.shape_cast %sub3A_4 : vector<1024x1xf32> to vector<1024x1xf32>
    %broadcast_in_dim3A_27 = vector.broadcast %broadcast_in_dim3A_26 : vector<1024x1xf32> to vector<1024x1024xf32>
    %broadcast_in_dim3A_28 = vector.broadcast %jit3A : f32 to vector<1024x1024xf32>
    %select_n3A = arith.select %eq3A_25, %broadcast_in_dim3A_27, %broadcast_in_dim3A_28 : vector<1024x1024xi1>, vector<1024x1024xf32>
    %reduce_max3A = arith.constant dense<0xFF800000> : vector<1024xf32>
    %reduce_max3A_29 = vector.multi_reduction <maximumf>, %select_n3A, %reduce_max3A [0] : vector<1024x1024xf32> to vector<1024xf32>
    %convert_element_type3A_30 = arith.fptosi %reduce_max3A_29 : vector<1024xf32> to vector<1024xi32>
    %sub3A_31 = arith.constant 1024 : i32
    %sub3A_32 = vector.broadcast %sub3A_31 : i32 to vector<1024xi32>
    %sub3A_33 = arith.subi %sub3A_32, %convert_element_type3A_30 : vector<1024xi32>
    %reshape3A = vector.shape_cast %sub3A_33 : vector<1024xi32> to vector<1x1024xi32>
    %swap3A = arith.constant 0 : index
    %swap3A_34 = arith.constant 0 : index
    %swap3A_35 = arith.constant 0 : index
    %swap3A_36 = vector.load %arg3[%swap3A, %swap3A_34, %swap3A_35] : memref<8x1x1024xi32, #tpu.memory_space<vmem>>, vector<1x1x1024xi32>
    %swap3A_37 = vector.shape_cast %swap3A_36 : vector<1x1x1024xi32> to vector<1x1024xi32>
    %swap3A_38 = vector.shape_cast %reshape3A : vector<1x1024xi32> to vector<1x1x1024xi32>
    tpu.vector_store %arg3[%swap3A, %swap3A_34, %swap3A_35], %swap3A_38 {strides = array<i32>} : memref<8x1x1024xi32, #tpu.memory_space<vmem>>, vector<1x1x1024xi32>,
    %get3A_39 = arith.constant 0 : index
    %get3A_40 = arith.constant 0 : index
    %get3A_41 = memref.load %arg4[%get3A_39, %get3A_40] : memref<1x1xf32, #tpu.memory_space<smem>>
    %reduce_sum3A_42 = vector.shape_cast %broadcast_in_dim3A_23 : vector<1x1024xf32> to vector<1x1x1024xf32>
    %reduce_sum3A_43 = arith.constant dense<0.000000e+00> : vector<1xf32>
    %reduce_sum3A_44 = vector.multi_reduction <add>, %reduce_sum3A_42, %reduce_sum3A_43 [1, 2] : vector<1x1x1024xf32> to vector<1xf32>
    %reduce_sum3A_45 = vector.shape_cast %reduce_sum3A_44 : vector<1xf32> to vector<1x1x1xf32>
    %reduce_sum3A_46 = vector.extract %reduce_sum3A_45[0, 0, 0] : f32 from vector<1x1x1xf32>
    %add3A_47 = arith.addf %get3A_41, %reduce_sum3A_46 : f32
    %swap3A_48 = arith.constant 0 : index
    %swap3A_49 = arith.constant 0 : index
    %swap3A_50 = memref.load %arg4[%swap3A_48, %swap3A_49] : memref<1x1xf32, #tpu.memory_space<smem>>
    memref.store %add3A_47, %arg4[%swap3A_48, %swap3A_49] : memref<1x1xf32, #tpu.memory_space<smem>>
    %get3A_51 = arith.constant 1 : index
    %get3A_52 = arith.constant 0 : index
    %get3A_53 = arith.constant 0 : index
    %get3A_54 = vector.load %arg1[%get3A_51, %get3A_52, %get3A_53] : memref<8x64x1024xf32, #tpu.memory_space<vmem>>, vector<1x64x1024xf32>
    %get3A_55 = vector.shape_cast %get3A_54 : vector<1x64x1024xf32> to vector<64x1024xf32>
    %dot_general3A_56 = arith.constant dense<0.000000e+00> : vector<1024x1024xf32>
    %dot_general3A_57 = tpu.matmul %add3A, %get3A_55, %dot_general3A_56 {dimension_numbers = #tpu.dot_dimension_numbers<[0], [0], [1], [1], [0, 1, 1, 1], [], []>, transpose_lhs_hint = false} : vector<64x1024xf32>, vector<64x1024xf32>, vector<1024x1024xf32> -> vector<1024x1024xf32>
    %mul3A_58 = arith.mulf %get3A_55, %get3A_55 : vector<64x1024xf32>
    %reduce_sum3A_59 = arith.constant dense<0.000000e+00> : vector<1024xf32>
    %reduce_sum3A_60 = vector.multi_reduction <add>, %mul3A_58, %reduce_sum3A_59 [0] : vector<64x1024xf32> to vector<1024xf32>
    %broadcast_in_dim3A_61 = vector.shape_cast %reduce_sum3A_60 : vector<1024xf32> to vector<1x1024xf32>
    %sub3A_62 = vector.broadcast %broadcast_in_dim3A_61 : vector<1x1024xf32> to vector<1024x1024xf32>
    %sub3A_63 = arith.subf %sub3A_62, %dot_general3A_57 : vector<1024x1024xf32>
    %add3A_64 = vector.broadcast %transpose3A : vector<1024x1xf32> to vector<1024x1024xf32>
    %add3A_65 = arith.addf %sub3A_63, %add3A_64 : vector<1024x1024xf32>
    %reduce_min3A_66 = arith.constant dense<0x7F800000> : vector<1024xf32>
    %reduce_min3A_67 = vector.multi_reduction <minimumf>, %add3A_65, %reduce_min3A_66 [0] : vector<1024x1024xf32> to vector<1024xf32>
    %broadcast_in_dim3A_68 = vector.shape_cast %reduce_min3A_67 : vector<1024xf32> to vector<1x1024xf32>
    %eq3A_69 = vector.broadcast %broadcast_in_dim3A_68 : vector<1x1024xf32> to vector<1024x1024xf32>
    %eq3A_70 = arith.cmpf oeq, %add3A_65, %eq3A_69 : vector<1024x1024xf32>
    %jit3A_71 = arith.constant 0.000000e+00 : f32
    %broadcast_in_dim3A_72 = vector.shape_cast %sub3A_4 : vector<1024x1xf32> to vector<1024x1xf32>
    %broadcast_in_dim3A_73 = vector.broadcast %broadcast_in_dim3A_72 : vector<1024x1xf32> to vector<1024x1024xf32>
    %broadcast_in_dim3A_74 = vector.broadcast %jit3A_71 : f32 to vector<1024x1024xf32>
    %select_n3A_75 = arith.select %eq3A_70, %broadcast_in_dim3A_73, %broadcast_in_dim3A_74 : vector<1024x1024xi1>, vector<1024x1024xf32>
    %reduce_max3A_76 = arith.constant dense<0xFF800000> : vector<1024xf32>
    %reduce_max3A_77 = vector.multi_reduction <maximumf>, %select_n3A_75, %reduce_max3A_76 [0] : vector<1024x1024xf32> to vector<1024xf32>
    %convert_element_type3A_78 = arith.fptosi %reduce_max3A_77 : vector<1024xf32> to vector<1024xi32>
    %sub3A_79 = arith.constant 1024 : i32
    %sub3A_80 = vector.broadcast %sub3A_79 : i32 to vector<1024xi32>
    %sub3A_81 = arith.subi %sub3A_80, %convert_element_type3A_78 : vector<1024xi32>
    %reshape3A_82 = vector.shape_cast %sub3A_81 : vector<1024xi32> to vector<1x1024xi32>
    %swap3A_83 = arith.constant 1 : index
    %swap3A_84 = arith.constant 0 : index
    %swap3A_85 = arith.constant 0 : index
    %swap3A_86 = vector.load %arg3[%swap3A_83, %swap3A_84, %swap3A_85] : memref<8x1x1024xi32, #tpu.memory_space<vmem>>, vector<1x1x1024xi32>
    %swap3A_87 = vector.shape_cast %swap3A_86 : vector<1x1x1024xi32> to vector<1x1024xi32>
    %swap3A_88 = vector.shape_cast %reshape3A_82 : vector<1x1024xi32> to vector<1x1x1024xi32>
    tpu.vector_store %arg3[%swap3A_83, %swap3A_84, %swap3A_85], %swap3A_88 {strides = array<i32>} : memref<8x1x1024xi32, #tpu.memory_space<vmem>>, vector<1x1x1024xi32>,
    %get3A_89 = arith.constant 0 : index
    %get3A_90 = arith.constant 0 : index
    %get3A_91 = memref.load %arg4[%get3A_89, %get3A_90] : memref<1x1xf32, #tpu.memory_space<smem>>
    %reduce_sum3A_92 = vector.shape_cast %broadcast_in_dim3A_68 : vector<1x1024xf32> to vector<1x1x1024xf32>
    %reduce_sum3A_93 = arith.constant dense<0.000000e+00> : vector<1xf32>
    %reduce_sum3A_94 = vector.multi_reduction <add>, %reduce_sum3A_92, %reduce_sum3A_93 [1, 2] : vector<1x1x1024xf32> to vector<1xf32>
    %reduce_sum3A_95 = vector.shape_cast %reduce_sum3A_94 : vector<1xf32> to vector<1x1x1xf32>
    %reduce_sum3A_96 = vector.extract %reduce_sum3A_95[0, 0, 0] : f32 from vector<1x1x1xf32>
    %add3A_97 = arith.addf %get3A_91, %reduce_sum3A_96 : f32
    %swap3A_98 = arith.constant 0 : index
    %swap3A_99 = arith.constant 0 : index
    %swap3A_100 = memref.load %arg4[%swap3A_98, %swap3A_99] : memref<1x1xf32, #tpu.memory_space<smem>>
    memref.store %add3A_97, %arg4[%swap3A_98, %swap3A_99] : memref<1x1xf32, #tpu.memory_space<smem>>
    %get3A_101 = arith.constant 2 : index
    %get3A_102 = arith.constant 0 : index
    %get3A_103 = arith.constant 0 : index
    %get3A_104 = vector.load %arg1[%get3A_101, %get3A_102, %get3A_103] : memref<8x64x1024xf32, #tpu.memory_space<vmem>>, vector<1x64x1024xf32>
    %get3A_105 = vector.shape_cast %get3A_104 : vector<1x64x1024xf32> to vector<64x1024xf32>
    %dot_general3A_106 = arith.constant dense<0.000000e+00> : vector<1024x1024xf32>
    %dot_general3A_107 = tpu.matmul %add3A, %get3A_105, %dot_general3A_106 {dimension_numbers = #tpu.dot_dimension_numbers<[0], [0], [1], [1], [0, 1, 1, 1], [], []>, transpose_lhs_hint = false} : vector<64x1024xf32>, vector<64x1024xf32>, vector<1024x1024xf32> -> vector<1024x1024xf32>
    %mul3A_108 = arith.mulf %get3A_105, %get3A_105 : vector<64x1024xf32>
    %reduce_sum3A_109 = arith.constant dense<0.000000e+00> : vector<1024xf32>
    %reduce_sum3A_110 = vector.multi_reduction <add>, %mul3A_108, %reduce_sum3A_109 [0] : vector<64x1024xf32> to vector<1024xf32>
    %broadcast_in_dim3A_111 = vector.shape_cast %reduce_sum3A_110 : vector<1024xf32> to vector<1x1024xf32>
    %sub3A_112 = vector.broadcast %broadcast_in_dim3A_111 : vector<1x1024xf32> to vector<1024x1024xf32>
    %sub3A_113 = arith.subf %sub3A_112, %dot_general3A_107 : vector<1024x1024xf32>
    %add3A_114 = vector.broadcast %transpose3A : vector<1024x1xf32> to vector<1024x1024xf32>
    %add3A_115 = arith.addf %sub3A_113, %add3A_114 : vector<1024x1024xf32>
    %reduce_min3A_116 = arith.constant dense<0x7F800000> : vector<1024xf32>
    %reduce_min3A_117 = vector.multi_reduction <minimumf>, %add3A_115, %reduce_min3A_116 [0] : vector<1024x1024xf32> to vector<1024xf32>
    %broadcast_in_dim3A_118 = vector.shape_cast %reduce_min3A_117 : vector<1024xf32> to vector<1x1024xf32>
    %eq3A_119 = vector.broadcast %broadcast_in_dim3A_118 : vector<1x1024xf32> to vector<1024x1024xf32>
    %eq3A_120 = arith.cmpf oeq, %add3A_115, %eq3A_119 : vector<1024x1024xf32>
    %jit3A_121 = arith.constant 0.000000e+00 : f32
    %broadcast_in_dim3A_122 = vector.shape_cast %sub3A_4 : vector<1024x1xf32> to vector<1024x1xf32>
    %broadcast_in_dim3A_123 = vector.broadcast %broadcast_in_dim3A_122 : vector<1024x1xf32> to vector<1024x1024xf32>
    %broadcast_in_dim3A_124 = vector.broadcast %jit3A_121 : f32 to vector<1024x1024xf32>
    %select_n3A_125 = arith.select %eq3A_120, %broadcast_in_dim3A_123, %broadcast_in_dim3A_124 : vector<1024x1024xi1>, vector<1024x1024xf32>
    %reduce_max3A_126 = arith.constant dense<0xFF800000> : vector<1024xf32>
    %reduce_max3A_127 = vector.multi_reduction <maximumf>, %select_n3A_125, %reduce_max3A_126 [0] : vector<1024x1024xf32> to vector<1024xf32>
    %convert_element_type3A_128 = arith.fptosi %reduce_max3A_127 : vector<1024xf32> to vector<1024xi32>
    %sub3A_129 = arith.constant 1024 : i32
    %sub3A_130 = vector.broadcast %sub3A_129 : i32 to vector<1024xi32>
    %sub3A_131 = arith.subi %sub3A_130, %convert_element_type3A_128 : vector<1024xi32>
    %reshape3A_132 = vector.shape_cast %sub3A_131 : vector<1024xi32> to vector<1x1024xi32>
    %swap3A_133 = arith.constant 2 : index
    %swap3A_134 = arith.constant 0 : index
    %swap3A_135 = arith.constant 0 : index
    %swap3A_136 = vector.load %arg3[%swap3A_133, %swap3A_134, %swap3A_135] : memref<8x1x1024xi32, #tpu.memory_space<vmem>>, vector<1x1x1024xi32>
    %swap3A_137 = vector.shape_cast %swap3A_136 : vector<1x1x1024xi32> to vector<1x1024xi32>
    %swap3A_138 = vector.shape_cast %reshape3A_132 : vector<1x1024xi32> to vector<1x1x1024xi32>
    tpu.vector_store %arg3[%swap3A_133, %swap3A_134, %swap3A_135], %swap3A_138 {strides = array<i32>} : memref<8x1x1024xi32, #tpu.memory_space<vmem>>, vector<1x1x1024xi32>,
    %get3A_139 = arith.constant 0 : index
    %get3A_140 = arith.constant 0 : index
    %get3A_141 = memref.load %arg4[%get3A_139, %get3A_140] : memref<1x1xf32, #tpu.memory_space<smem>>
    %reduce_sum3A_142 = vector.shape_cast %broadcast_in_dim3A_118 : vector<1x1024xf32> to vector<1x1x1024xf32>
    %reduce_sum3A_143 = arith.constant dense<0.000000e+00> : vector<1xf32>
    %reduce_sum3A_144 = vector.multi_reduction <add>, %reduce_sum3A_142, %reduce_sum3A_143 [1, 2] : vector<1x1x1024xf32> to vector<1xf32>
    %reduce_sum3A_145 = vector.shape_cast %reduce_sum3A_144 : vector<1xf32> to vector<1x1x1xf32>
    %reduce_sum3A_146 = vector.extract %reduce_sum3A_145[0, 0, 0] : f32 from vector<1x1x1xf32>
    %add3A_147 = arith.addf %get3A_141, %reduce_sum3A_146 : f32
    %swap3A_148 = arith.constant 0 : index
    %swap3A_149 = arith.constant 0 : index
    %swap3A_150 = memref.load %arg4[%swap3A_148, %swap3A_149] : memref<1x1xf32, #tpu.memory_space<smem>>
    memref.store %add3A_147, %arg4[%swap3A_148, %swap3A_149] : memref<1x1xf32, #tpu.memory_space<smem>>
    %get3A_151 = arith.constant 3 : index
    %get3A_152 = arith.constant 0 : index
    %get3A_153 = arith.constant 0 : index
    %get3A_154 = vector.load %arg1[%get3A_151, %get3A_152, %get3A_153] : memref<8x64x1024xf32, #tpu.memory_space<vmem>>, vector<1x64x1024xf32>
    %get3A_155 = vector.shape_cast %get3A_154 : vector<1x64x1024xf32> to vector<64x1024xf32>
    %dot_general3A_156 = arith.constant dense<0.000000e+00> : vector<1024x1024xf32>
    %dot_general3A_157 = tpu.matmul %add3A, %get3A_155, %dot_general3A_156 {dimension_numbers = #tpu.dot_dimension_numbers<[0], [0], [1], [1], [0, 1, 1, 1], [], []>, transpose_lhs_hint = false} : vector<64x1024xf32>, vector<64x1024xf32>, vector<1024x1024xf32> -> vector<1024x1024xf32>
    %mul3A_158 = arith.mulf %get3A_155, %get3A_155 : vector<64x1024xf32>
    %reduce_sum3A_159 = arith.constant dense<0.000000e+00> : vector<1024xf32>
    %reduce_sum3A_160 = vector.multi_reduction <add>, %mul3A_158, %reduce_sum3A_159 [0] : vector<64x1024xf32> to vector<1024xf32>
    %broadcast_in_dim3A_161 = vector.shape_cast %reduce_sum3A_160 : vector<1024xf32> to vector<1x1024xf32>
    %sub3A_162 = vector.broadcast %broadcast_in_dim3A_161 : vector<1x1024xf32> to vector<1024x1024xf32>
    %sub3A_163 = arith.subf %sub3A_162, %dot_general3A_157 : vector<1024x1024xf32>
    %add3A_164 = vector.broadcast %transpose3A : vector<1024x1xf32> to vector<1024x1024xf32>
    %add3A_165 = arith.addf %sub3A_163, %add3A_164 : vector<1024x1024xf32>
    %reduce_min3A_166 = arith.constant dense<0x7F800000> : vector<1024xf32>
    %reduce_min3A_167 = vector.multi_reduction <minimumf>, %add3A_165, %reduce_min3A_166 [0] : vector<1024x1024xf32> to vector<1024xf32>
    %broadcast_in_dim3A_168 = vector.shape_cast %reduce_min3A_167 : vector<1024xf32> to vector<1x1024xf32>
    %eq3A_169 = vector.broadcast %broadcast_in_dim3A_168 : vector<1x1024xf32> to vector<1024x1024xf32>
    %eq3A_170 = arith.cmpf oeq, %add3A_165, %eq3A_169 : vector<1024x1024xf32>
    %jit3A_171 = arith.constant 0.000000e+00 : f32
    %broadcast_in_dim3A_172 = vector.shape_cast %sub3A_4 : vector<1024x1xf32> to vector<1024x1xf32>
    %broadcast_in_dim3A_173 = vector.broadcast %broadcast_in_dim3A_172 : vector<1024x1xf32> to vector<1024x1024xf32>
    %broadcast_in_dim3A_174 = vector.broadcast %jit3A_171 : f32 to vector<1024x1024xf32>
    %select_n3A_175 = arith.select %eq3A_170, %broadcast_in_dim3A_173, %broadcast_in_dim3A_174 : vector<1024x1024xi1>, vector<1024x1024xf32>
    %reduce_max3A_176 = arith.constant dense<0xFF800000> : vector<1024xf32>
    %reduce_max3A_177 = vector.multi_reduction <maximumf>, %select_n3A_175, %reduce_max3A_176 [0] : vector<1024x1024xf32> to vector<1024xf32>
    %convert_element_type3A_178 = arith.fptosi %reduce_max3A_177 : vector<1024xf32> to vector<1024xi32>
    %sub3A_179 = arith.constant 1024 : i32
    %sub3A_180 = vector.broadcast %sub3A_179 : i32 to vector<1024xi32>
    %sub3A_181 = arith.subi %sub3A_180, %convert_element_type3A_178 : vector<1024xi32>
    %reshape3A_182 = vector.shape_cast %sub3A_181 : vector<1024xi32> to vector<1x1024xi32>
    %swap3A_183 = arith.constant 3 : index
    %swap3A_184 = arith.constant 0 : index
    %swap3A_185 = arith.constant 0 : index
    %swap3A_186 = vector.load %arg3[%swap3A_183, %swap3A_184, %swap3A_185] : memref<8x1x1024xi32, #tpu.memory_space<vmem>>, vector<1x1x1024xi32>
    %swap3A_187 = vector.shape_cast %swap3A_186 : vector<1x1x1024xi32> to vector<1x1024xi32>
    %swap3A_188 = vector.shape_cast %reshape3A_182 : vector<1x1024xi32> to vector<1x1x1024xi32>
    tpu.vector_store %arg3[%swap3A_183, %swap3A_184, %swap3A_185], %swap3A_188 {strides = array<i32>} : memref<8x1x1024xi32, #tpu.memory_space<vmem>>, vector<1x1x1024xi32>,
    %get3A_189 = arith.constant 0 : index
    %get3A_190 = arith.constant 0 : index
    %get3A_191 = memref.load %arg4[%get3A_189, %get3A_190] : memref<1x1xf32, #tpu.memory_space<smem>>
    %reduce_sum3A_192 = vector.shape_cast %broadcast_in_dim3A_168 : vector<1x1024xf32> to vector<1x1x1024xf32>
    %reduce_sum3A_193 = arith.constant dense<0.000000e+00> : vector<1xf32>
    %reduce_sum3A_194 = vector.multi_reduction <add>, %reduce_sum3A_192, %reduce_sum3A_193 [1, 2] : vector<1x1x1024xf32> to vector<1xf32>
    %reduce_sum3A_195 = vector.shape_cast %reduce_sum3A_194 : vector<1xf32> to vector<1x1x1xf32>
    %reduce_sum3A_196 = vector.extract %reduce_sum3A_195[0, 0, 0] : f32 from vector<1x1x1xf32>
    %add3A_197 = arith.addf %get3A_191, %reduce_sum3A_196 : f32
    %swap3A_198 = arith.constant 0 : index
    %swap3A_199 = arith.constant 0 : index
    %swap3A_200 = memref.load %arg4[%swap3A_198, %swap3A_199] : memref<1x1xf32, #tpu.memory_space<smem>>
    memref.store %add3A_197, %arg4[%swap3A_198, %swap3A_199] : memref<1x1xf32, #tpu.memory_space<smem>>
    %get3A_201 = arith.constant 4 : index
    %get3A_202 = arith.constant 0 : index
    %get3A_203 = arith.constant 0 : index
    %get3A_204 = vector.load %arg1[%get3A_201, %get3A_202, %get3A_203] : memref<8x64x1024xf32, #tpu.memory_space<vmem>>, vector<1x64x1024xf32>
    %get3A_205 = vector.shape_cast %get3A_204 : vector<1x64x1024xf32> to vector<64x1024xf32>
    %dot_general3A_206 = arith.constant dense<0.000000e+00> : vector<1024x1024xf32>
    %dot_general3A_207 = tpu.matmul %add3A, %get3A_205, %dot_general3A_206 {dimension_numbers = #tpu.dot_dimension_numbers<[0], [0], [1], [1], [0, 1, 1, 1], [], []>, transpose_lhs_hint = false} : vector<64x1024xf32>, vector<64x1024xf32>, vector<1024x1024xf32> -> vector<1024x1024xf32>
    %mul3A_208 = arith.mulf %get3A_205, %get3A_205 : vector<64x1024xf32>
    %reduce_sum3A_209 = arith.constant dense<0.000000e+00> : vector<1024xf32>
    %reduce_sum3A_210 = vector.multi_reduction <add>, %mul3A_208, %reduce_sum3A_209 [0] : vector<64x1024xf32> to vector<1024xf32>
    %broadcast_in_dim3A_211 = vector.shape_cast %reduce_sum3A_210 : vector<1024xf32> to vector<1x1024xf32>
    %sub3A_212 = vector.broadcast %broadcast_in_dim3A_211 : vector<1x1024xf32> to vector<1024x1024xf32>
    %sub3A_213 = arith.subf %sub3A_212, %dot_general3A_207 : vector<1024x1024xf32>
    %add3A_214 = vector.broadcast %transpose3A : vector<1024x1xf32> to vector<1024x1024xf32>
    %add3A_215 = arith.addf %sub3A_213, %add3A_214 : vector<1024x1024xf32>
    %reduce_min3A_216 = arith.constant dense<0x7F800000> : vector<1024xf32>
    %reduce_min3A_217 = vector.multi_reduction <minimumf>, %add3A_215, %reduce_min3A_216 [0] : vector<1024x1024xf32> to vector<1024xf32>
    %broadcast_in_dim3A_218 = vector.shape_cast %reduce_min3A_217 : vector<1024xf32> to vector<1x1024xf32>
    %eq3A_219 = vector.broadcast %broadcast_in_dim3A_218 : vector<1x1024xf32> to vector<1024x1024xf32>
    %eq3A_220 = arith.cmpf oeq, %add3A_215, %eq3A_219 : vector<1024x1024xf32>
    %jit3A_221 = arith.constant 0.000000e+00 : f32
    %broadcast_in_dim3A_222 = vector.shape_cast %sub3A_4 : vector<1024x1xf32> to vector<1024x1xf32>
    %broadcast_in_dim3A_223 = vector.broadcast %broadcast_in_dim3A_222 : vector<1024x1xf32> to vector<1024x1024xf32>
    %broadcast_in_dim3A_224 = vector.broadcast %jit3A_221 : f32 to vector<1024x1024xf32>
    %select_n3A_225 = arith.select %eq3A_220, %broadcast_in_dim3A_223, %broadcast_in_dim3A_224 : vector<1024x1024xi1>, vector<1024x1024xf32>
    %reduce_max3A_226 = arith.constant dense<0xFF800000> : vector<1024xf32>
    %reduce_max3A_227 = vector.multi_reduction <maximumf>, %select_n3A_225, %reduce_max3A_226 [0] : vector<1024x1024xf32> to vector<1024xf32>
    %convert_element_type3A_228 = arith.fptosi %reduce_max3A_227 : vector<1024xf32> to vector<1024xi32>
    %sub3A_229 = arith.constant 1024 : i32
    %sub3A_230 = vector.broadcast %sub3A_229 : i32 to vector<1024xi32>
    %sub3A_231 = arith.subi %sub3A_230, %convert_element_type3A_228 : vector<1024xi32>
    %reshape3A_232 = vector.shape_cast %sub3A_231 : vector<1024xi32> to vector<1x1024xi32>
    %swap3A_233 = arith.constant 4 : index
    %swap3A_234 = arith.constant 0 : index
    %swap3A_235 = arith.constant 0 : index
    %swap3A_236 = vector.load %arg3[%swap3A_233, %swap3A_234, %swap3A_235] : memref<8x1x1024xi32, #tpu.memory_space<vmem>>, vector<1x1x1024xi32>
    %swap3A_237 = vector.shape_cast %swap3A_236 : vector<1x1x1024xi32> to vector<1x1024xi32>
    %swap3A_238 = vector.shape_cast %reshape3A_232 : vector<1x1024xi32> to vector<1x1x1024xi32>
    tpu.vector_store %arg3[%swap3A_233, %swap3A_234, %swap3A_235], %swap3A_238 {strides = array<i32>} : memref<8x1x1024xi32, #tpu.memory_space<vmem>>, vector<1x1x1024xi32>,
    %get3A_239 = arith.constant 0 : index
    %get3A_240 = arith.constant 0 : index
    %get3A_241 = memref.load %arg4[%get3A_239, %get3A_240] : memref<1x1xf32, #tpu.memory_space<smem>>
    %reduce_sum3A_242 = vector.shape_cast %broadcast_in_dim3A_218 : vector<1x1024xf32> to vector<1x1x1024xf32>
    %reduce_sum3A_243 = arith.constant dense<0.000000e+00> : vector<1xf32>
    %reduce_sum3A_244 = vector.multi_reduction <add>, %reduce_sum3A_242, %reduce_sum3A_243 [1, 2] : vector<1x1x1024xf32> to vector<1xf32>
    %reduce_sum3A_245 = vector.shape_cast %reduce_sum3A_244 : vector<1xf32> to vector<1x1x1xf32>
    %reduce_sum3A_246 = vector.extract %reduce_sum3A_245[0, 0, 0] : f32 from vector<1x1x1xf32>
    %add3A_247 = arith.addf %get3A_241, %reduce_sum3A_246 : f32
    %swap3A_248 = arith.constant 0 : index
    %swap3A_249 = arith.constant 0 : index
    %swap3A_250 = memref.load %arg4[%swap3A_248, %swap3A_249] : memref<1x1xf32, #tpu.memory_space<smem>>
    memref.store %add3A_247, %arg4[%swap3A_248, %swap3A_249] : memref<1x1xf32, #tpu.memory_space<smem>>
    %get3A_251 = arith.constant 5 : index
    %get3A_252 = arith.constant 0 : index
    %get3A_253 = arith.constant 0 : index
    %get3A_254 = vector.load %arg1[%get3A_251, %get3A_252, %get3A_253] : memref<8x64x1024xf32, #tpu.memory_space<vmem>>, vector<1x64x1024xf32>
    %get3A_255 = vector.shape_cast %get3A_254 : vector<1x64x1024xf32> to vector<64x1024xf32>
    %dot_general3A_256 = arith.constant dense<0.000000e+00> : vector<1024x1024xf32>
    %dot_general3A_257 = tpu.matmul %add3A, %get3A_255, %dot_general3A_256 {dimension_numbers = #tpu.dot_dimension_numbers<[0], [0], [1], [1], [0, 1, 1, 1], [], []>, transpose_lhs_hint = false} : vector<64x1024xf32>, vector<64x1024xf32>, vector<1024x1024xf32> -> vector<1024x1024xf32>
    %mul3A_258 = arith.mulf %get3A_255, %get3A_255 : vector<64x1024xf32>
    %reduce_sum3A_259 = arith.constant dense<0.000000e+00> : vector<1024xf32>
    %reduce_sum3A_260 = vector.multi_reduction <add>, %mul3A_258, %reduce_sum3A_259 [0] : vector<64x1024xf32> to vector<1024xf32>
    %broadcast_in_dim3A_261 = vector.shape_cast %reduce_sum3A_260 : vector<1024xf32> to vector<1x1024xf32>
    %sub3A_262 = vector.broadcast %broadcast_in_dim3A_261 : vector<1x1024xf32> to vector<1024x1024xf32>
    %sub3A_263 = arith.subf %sub3A_262, %dot_general3A_257 : vector<1024x1024xf32>
    %add3A_264 = vector.broadcast %transpose3A : vector<1024x1xf32> to vector<1024x1024xf32>
    %add3A_265 = arith.addf %sub3A_263, %add3A_264 : vector<1024x1024xf32>
    %reduce_min3A_266 = arith.constant dense<0x7F800000> : vector<1024xf32>
    %reduce_min3A_267 = vector.multi_reduction <minimumf>, %add3A_265, %reduce_min3A_266 [0] : vector<1024x1024xf32> to vector<1024xf32>
    %broadcast_in_dim3A_268 = vector.shape_cast %reduce_min3A_267 : vector<1024xf32> to vector<1x1024xf32>
    %eq3A_269 = vector.broadcast %broadcast_in_dim3A_268 : vector<1x1024xf32> to vector<1024x1024xf32>
    %eq3A_270 = arith.cmpf oeq, %add3A_265, %eq3A_269 : vector<1024x1024xf32>
    %jit3A_271 = arith.constant 0.000000e+00 : f32
    %broadcast_in_dim3A_272 = vector.shape_cast %sub3A_4 : vector<1024x1xf32> to vector<1024x1xf32>
    %broadcast_in_dim3A_273 = vector.broadcast %broadcast_in_dim3A_272 : vector<1024x1xf32> to vector<1024x1024xf32>
    %broadcast_in_dim3A_274 = vector.broadcast %jit3A_271 : f32 to vector<1024x1024xf32>
    %select_n3A_275 = arith.select %eq3A_270, %broadcast_in_dim3A_273, %broadcast_in_dim3A_274 : vector<1024x1024xi1>, vector<1024x1024xf32>
    %reduce_max3A_276 = arith.constant dense<0xFF800000> : vector<1024xf32>
    %reduce_max3A_277 = vector.multi_reduction <maximumf>, %select_n3A_275, %reduce_max3A_276 [0] : vector<1024x1024xf32> to vector<1024xf32>
    %convert_element_type3A_278 = arith.fptosi %reduce_max3A_277 : vector<1024xf32> to vector<1024xi32>
    %sub3A_279 = arith.constant 1024 : i32
    %sub3A_280 = vector.broadcast %sub3A_279 : i32 to vector<1024xi32>
    %sub3A_281 = arith.subi %sub3A_280, %convert_element_type3A_278 : vector<1024xi32>
    %reshape3A_282 = vector.shape_cast %sub3A_281 : vector<1024xi32> to vector<1x1024xi32>
    %swap3A_283 = arith.constant 5 : index
    %swap3A_284 = arith.constant 0 : index
    %swap3A_285 = arith.constant 0 : index
    %swap3A_286 = vector.load %arg3[%swap3A_283, %swap3A_284, %swap3A_285] : memref<8x1x1024xi32, #tpu.memory_space<vmem>>, vector<1x1x1024xi32>
    %swap3A_287 = vector.shape_cast %swap3A_286 : vector<1x1x1024xi32> to vector<1x1024xi32>
    %swap3A_288 = vector.shape_cast %reshape3A_282 : vector<1x1024xi32> to vector<1x1x1024xi32>
    tpu.vector_store %arg3[%swap3A_283, %swap3A_284, %swap3A_285], %swap3A_288 {strides = array<i32>} : memref<8x1x1024xi32, #tpu.memory_space<vmem>>, vector<1x1x1024xi32>,
    %get3A_289 = arith.constant 0 : index
    %get3A_290 = arith.constant 0 : index
    %get3A_291 = memref.load %arg4[%get3A_289, %get3A_290] : memref<1x1xf32, #tpu.memory_space<smem>>
    %reduce_sum3A_292 = vector.shape_cast %broadcast_in_dim3A_268 : vector<1x1024xf32> to vector<1x1x1024xf32>
    %reduce_sum3A_293 = arith.constant dense<0.000000e+00> : vector<1xf32>
    %reduce_sum3A_294 = vector.multi_reduction <add>, %reduce_sum3A_292, %reduce_sum3A_293 [1, 2] : vector<1x1x1024xf32> to vector<1xf32>
    %reduce_sum3A_295 = vector.shape_cast %reduce_sum3A_294 : vector<1xf32> to vector<1x1x1xf32>
    %reduce_sum3A_296 = vector.extract %reduce_sum3A_295[0, 0, 0] : f32 from vector<1x1x1xf32>
    %add3A_297 = arith.addf %get3A_291, %reduce_sum3A_296 : f32
    %swap3A_298 = arith.constant 0 : index
    %swap3A_299 = arith.constant 0 : index
    %swap3A_300 = memref.load %arg4[%swap3A_298, %swap3A_299] : memref<1x1xf32, #tpu.memory_space<smem>>
    memref.store %add3A_297, %arg4[%swap3A_298, %swap3A_299] : memref<1x1xf32, #tpu.memory_space<smem>>
    %get3A_301 = arith.constant 6 : index
    %get3A_302 = arith.constant 0 : index
    %get3A_303 = arith.constant 0 : index
    %get3A_304 = vector.load %arg1[%get3A_301, %get3A_302, %get3A_303] : memref<8x64x1024xf32, #tpu.memory_space<vmem>>, vector<1x64x1024xf32>
    %get3A_305 = vector.shape_cast %get3A_304 : vector<1x64x1024xf32> to vector<64x1024xf32>
    %dot_general3A_306 = arith.constant dense<0.000000e+00> : vector<1024x1024xf32>
    %dot_general3A_307 = tpu.matmul %add3A, %get3A_305, %dot_general3A_306 {dimension_numbers = #tpu.dot_dimension_numbers<[0], [0], [1], [1], [0, 1, 1, 1], [], []>, transpose_lhs_hint = false} : vector<64x1024xf32>, vector<64x1024xf32>, vector<1024x1024xf32> -> vector<1024x1024xf32>
    %mul3A_308 = arith.mulf %get3A_305, %get3A_305 : vector<64x1024xf32>
    %reduce_sum3A_309 = arith.constant dense<0.000000e+00> : vector<1024xf32>
    %reduce_sum3A_310 = vector.multi_reduction <add>, %mul3A_308, %reduce_sum3A_309 [0] : vector<64x1024xf32> to vector<1024xf32>
    %broadcast_in_dim3A_311 = vector.shape_cast %reduce_sum3A_310 : vector<1024xf32> to vector<1x1024xf32>
    %sub3A_312 = vector.broadcast %broadcast_in_dim3A_311 : vector<1x1024xf32> to vector<1024x1024xf32>
    %sub3A_313 = arith.subf %sub3A_312, %dot_general3A_307 : vector<1024x1024xf32>
    %add3A_314 = vector.broadcast %transpose3A : vector<1024x1xf32> to vector<1024x1024xf32>
    %add3A_315 = arith.addf %sub3A_313, %add3A_314 : vector<1024x1024xf32>
    %reduce_min3A_316 = arith.constant dense<0x7F800000> : vector<1024xf32>
    %reduce_min3A_317 = vector.multi_reduction <minimumf>, %add3A_315, %reduce_min3A_316 [0] : vector<1024x1024xf32> to vector<1024xf32>
    %broadcast_in_dim3A_318 = vector.shape_cast %reduce_min3A_317 : vector<1024xf32> to vector<1x1024xf32>
    %eq3A_319 = vector.broadcast %broadcast_in_dim3A_318 : vector<1x1024xf32> to vector<1024x1024xf32>
    %eq3A_320 = arith.cmpf oeq, %add3A_315, %eq3A_319 : vector<1024x1024xf32>
    %jit3A_321 = arith.constant 0.000000e+00 : f32
    %broadcast_in_dim3A_322 = vector.shape_cast %sub3A_4 : vector<1024x1xf32> to vector<1024x1xf32>
    %broadcast_in_dim3A_323 = vector.broadcast %broadcast_in_dim3A_322 : vector<1024x1xf32> to vector<1024x1024xf32>
    %broadcast_in_dim3A_324 = vector.broadcast %jit3A_321 : f32 to vector<1024x1024xf32>
    %select_n3A_325 = arith.select %eq3A_320, %broadcast_in_dim3A_323, %broadcast_in_dim3A_324 : vector<1024x1024xi1>, vector<1024x1024xf32>
    %reduce_max3A_326 = arith.constant dense<0xFF800000> : vector<1024xf32>
    %reduce_max3A_327 = vector.multi_reduction <maximumf>, %select_n3A_325, %reduce_max3A_326 [0] : vector<1024x1024xf32> to vector<1024xf32>
    %convert_element_type3A_328 = arith.fptosi %reduce_max3A_327 : vector<1024xf32> to vector<1024xi32>
    %sub3A_329 = arith.constant 1024 : i32
    %sub3A_330 = vector.broadcast %sub3A_329 : i32 to vector<1024xi32>
    %sub3A_331 = arith.subi %sub3A_330, %convert_element_type3A_328 : vector<1024xi32>
    %reshape3A_332 = vector.shape_cast %sub3A_331 : vector<1024xi32> to vector<1x1024xi32>
    %swap3A_333 = arith.constant 6 : index
    %swap3A_334 = arith.constant 0 : index
    %swap3A_335 = arith.constant 0 : index
    %swap3A_336 = vector.load %arg3[%swap3A_333, %swap3A_334, %swap3A_335] : memref<8x1x1024xi32, #tpu.memory_space<vmem>>, vector<1x1x1024xi32>
    %swap3A_337 = vector.shape_cast %swap3A_336 : vector<1x1x1024xi32> to vector<1x1024xi32>
    %swap3A_338 = vector.shape_cast %reshape3A_332 : vector<1x1024xi32> to vector<1x1x1024xi32>
    tpu.vector_store %arg3[%swap3A_333, %swap3A_334, %swap3A_335], %swap3A_338 {strides = array<i32>} : memref<8x1x1024xi32, #tpu.memory_space<vmem>>, vector<1x1x1024xi32>,
    %get3A_339 = arith.constant 0 : index
    %get3A_340 = arith.constant 0 : index
    %get3A_341 = memref.load %arg4[%get3A_339, %get3A_340] : memref<1x1xf32, #tpu.memory_space<smem>>
    %reduce_sum3A_342 = vector.shape_cast %broadcast_in_dim3A_318 : vector<1x1024xf32> to vector<1x1x1024xf32>
    %reduce_sum3A_343 = arith.constant dense<0.000000e+00> : vector<1xf32>
    %reduce_sum3A_344 = vector.multi_reduction <add>, %reduce_sum3A_342, %reduce_sum3A_343 [1, 2] : vector<1x1x1024xf32> to vector<1xf32>
    %reduce_sum3A_345 = vector.shape_cast %reduce_sum3A_344 : vector<1xf32> to vector<1x1x1xf32>
    %reduce_sum3A_346 = vector.extract %reduce_sum3A_345[0, 0, 0] : f32 from vector<1x1x1xf32>
    %add3A_347 = arith.addf %get3A_341, %reduce_sum3A_346 : f32
    %swap3A_348 = arith.constant 0 : index
    %swap3A_349 = arith.constant 0 : index
    %swap3A_350 = memref.load %arg4[%swap3A_348, %swap3A_349] : memref<1x1xf32, #tpu.memory_space<smem>>
    memref.store %add3A_347, %arg4[%swap3A_348, %swap3A_349] : memref<1x1xf32, #tpu.memory_space<smem>>
    %get3A_351 = arith.constant 7 : index
    %get3A_352 = arith.constant 0 : index
    %get3A_353 = arith.constant 0 : index
    %get3A_354 = vector.load %arg1[%get3A_351, %get3A_352, %get3A_353] : memref<8x64x1024xf32, #tpu.memory_space<vmem>>, vector<1x64x1024xf32>
    %get3A_355 = vector.shape_cast %get3A_354 : vector<1x64x1024xf32> to vector<64x1024xf32>
    %dot_general3A_356 = arith.constant dense<0.000000e+00> : vector<1024x1024xf32>
    %dot_general3A_357 = tpu.matmul %add3A, %get3A_355, %dot_general3A_356 {dimension_numbers = #tpu.dot_dimension_numbers<[0], [0], [1], [1], [0, 1, 1, 1], [], []>, transpose_lhs_hint = false} : vector<64x1024xf32>, vector<64x1024xf32>, vector<1024x1024xf32> -> vector<1024x1024xf32>
    %mul3A_358 = arith.mulf %get3A_355, %get3A_355 : vector<64x1024xf32>
    %reduce_sum3A_359 = arith.constant dense<0.000000e+00> : vector<1024xf32>
    %reduce_sum3A_360 = vector.multi_reduction <add>, %mul3A_358, %reduce_sum3A_359 [0] : vector<64x1024xf32> to vector<1024xf32>
    %broadcast_in_dim3A_361 = vector.shape_cast %reduce_sum3A_360 : vector<1024xf32> to vector<1x1024xf32>
    %sub3A_362 = vector.broadcast %broadcast_in_dim3A_361 : vector<1x1024xf32> to vector<1024x1024xf32>
    %sub3A_363 = arith.subf %sub3A_362, %dot_general3A_357 : vector<1024x1024xf32>
    %add3A_364 = vector.broadcast %transpose3A : vector<1024x1xf32> to vector<1024x1024xf32>
    %add3A_365 = arith.addf %sub3A_363, %add3A_364 : vector<1024x1024xf32>
    %reduce_min3A_366 = arith.constant dense<0x7F800000> : vector<1024xf32>
    %reduce_min3A_367 = vector.multi_reduction <minimumf>, %add3A_365, %reduce_min3A_366 [0] : vector<1024x1024xf32> to vector<1024xf32>
    %broadcast_in_dim3A_368 = vector.shape_cast %reduce_min3A_367 : vector<1024xf32> to vector<1x1024xf32>
    %eq3A_369 = vector.broadcast %broadcast_in_dim3A_368 : vector<1x1024xf32> to vector<1024x1024xf32>
    %eq3A_370 = arith.cmpf oeq, %add3A_365, %eq3A_369 : vector<1024x1024xf32>
    %jit3A_371 = arith.constant 0.000000e+00 : f32
    %broadcast_in_dim3A_372 = vector.shape_cast %sub3A_4 : vector<1024x1xf32> to vector<1024x1xf32>
    %broadcast_in_dim3A_373 = vector.broadcast %broadcast_in_dim3A_372 : vector<1024x1xf32> to vector<1024x1024xf32>
    %broadcast_in_dim3A_374 = vector.broadcast %jit3A_371 : f32 to vector<1024x1024xf32>
    %select_n3A_375 = arith.select %eq3A_370, %broadcast_in_dim3A_373, %broadcast_in_dim3A_374 : vector<1024x1024xi1>, vector<1024x1024xf32>
    %reduce_max3A_376 = arith.constant dense<0xFF800000> : vector<1024xf32>
    %reduce_max3A_377 = vector.multi_reduction <maximumf>, %select_n3A_375, %reduce_max3A_376 [0] : vector<1024x1024xf32> to vector<1024xf32>
    %convert_element_type3A_378 = arith.fptosi %reduce_max3A_377 : vector<1024xf32> to vector<1024xi32>
    %sub3A_379 = arith.constant 1024 : i32
    %sub3A_380 = vector.broadcast %sub3A_379 : i32 to vector<1024xi32>
    %sub3A_381 = arith.subi %sub3A_380, %convert_element_type3A_378 : vector<1024xi32>
    %reshape3A_382 = vector.shape_cast %sub3A_381 : vector<1024xi32> to vector<1x1024xi32>
    %swap3A_383 = arith.constant 7 : index
    %swap3A_384 = arith.constant 0 : index
    %swap3A_385 = arith.constant 0 : index
    %swap3A_386 = vector.load %arg3[%swap3A_383, %swap3A_384, %swap3A_385] : memref<8x1x1024xi32, #tpu.memory_space<vmem>>, vector<1x1x1024xi32>
    %swap3A_387 = vector.shape_cast %swap3A_386 : vector<1x1x1024xi32> to vector<1x1024xi32>
    %swap3A_388 = vector.shape_cast %reshape3A_382 : vector<1x1024xi32> to vector<1x1x1024xi32>
    tpu.vector_store %arg3[%swap3A_383, %swap3A_384, %swap3A_385], %swap3A_388 {strides = array<i32>} : memref<8x1x1024xi32, #tpu.memory_space<vmem>>, vector<1x1x1024xi32>,
    %get3A_389 = arith.constant 0 : index
    %get3A_390 = arith.constant 0 : index
    %get3A_391 = memref.load %arg4[%get3A_389, %get3A_390] : memref<1x1xf32, #tpu.memory_space<smem>>
    %reduce_sum3A_392 = vector.shape_cast %broadcast_in_dim3A_368 : vector<1x1024xf32> to vector<1x1x1024xf32>
    %reduce_sum3A_393 = arith.constant dense<0.000000e+00> : vector<1xf32>
    %reduce_sum3A_394 = vector.multi_reduction <add>, %reduce_sum3A_392, %reduce_sum3A_393 [1, 2] : vector<1x1x1024xf32> to vector<1xf32>
    %reduce_sum3A_395 = vector.shape_cast %reduce_sum3A_394 : vector<1xf32> to vector<1x1x1xf32>
    %reduce_sum3A_396 = vector.extract %reduce_sum3A_395[0, 0, 0] : f32 from vector<1x1x1xf32>
    %add3A_397 = arith.addf %get3A_391, %reduce_sum3A_396 : f32
    %swap3A_398 = arith.constant 0 : index
    %swap3A_399 = arith.constant 0 : index
    %swap3A_400 = memref.load %arg4[%swap3A_398, %swap3A_399] : memref<1x1xf32, #tpu.memory_space<smem>>
    memref.store %add3A_397, %arg4[%swap3A_398, %swap3A_399] : memref<1x1xf32, #tpu.memory_space<smem>>
    return
  }
  func.func @transform_0(%arg0: i32) -> (i32, i32, i32) {
    %c0_i32 = arith.constant 0 : i32
    %c0_i32_0 = arith.constant 0 : i32
    %c0_i32_1 = arith.constant 0 : i32
    return %arg0, %c0_i32, %c0_i32_0 : i32, i32, i32
  }
  func.func @transform_1(%arg0: i32) -> (i32, i32) {
    %c0_i32 = arith.constant 0 : i32
    %c0_i32_0 = arith.constant 0 : i32
    %c0_i32_1 = arith.constant 0 : i32
    return %c0_i32, %c0_i32_0 : i32, i32
  }
  func.func @transform_2(%arg0: i32) -> (i32, i32, i32) {
    %c0_i32 = arith.constant 0 : i32
    %c0_i32_0 = arith.constant 0 : i32
    %c0_i32_1 = arith.constant 0 : i32
    return %arg0, %c0_i32, %c0_i32_0 : i32, i32, i32
  }
  func.func @transform_3(%arg0: i32) -> (i32, i32) {
    %c0_i32 = arith.constant 0 : i32
    %c0_i32_0 = arith.constant 0 : i32
    %c0_i32_1 = arith.constant 0 : i32
    return %c0_i32, %c0_i32_0 : i32, i32
  }
}

</mosaic_0001>

<sc_bundles>
// kernel: kernel.4.cloned.1.call-start
scs
__scs_entry_jumppad:
0x0: {  	(pc) =	sbr.rel $0x88, $3  }
0x1: {  	(tag) =	ssettag $0x0;
	lr =	simm.s32 $0x1  }
0x2: {  	[smem:$0x3F9F] =	sst lr;
	_ =	strace $0xD0000000  }
0x3: {  	_ = 	snop  }
0x4: {  	_ = 	snop  }
0x5: {  	_ = 	snop  }
0x6: {  	_ = 	snop  }
0x7: {  	_ = 	snop  }
__scs_overlays_trampoline_lowered:
0x8: {  	[smem:$0x3FAE] =	sst s0  }
0x9: {  	[smem:$0x3FAF] =	sst s1  }
0xa: {  	[smem:$0x3FB0] =	sst s2  }
0xb: {  	[smem:$0x3FB1] =	sst s3  }
0xc: {  	[smem:$0x3FB2] =	sst s4  }
0xd: {  	[smem:$0x3FB3] =	sst s5  }
0xe: {  	[smem:$0x3FB4] =	sst s6  }
0xf: {  	[smem:$0x3FB5] =	sst s7  }
0x10: {  	[smem:$0x3FB6] =	sst s8  }
0x11: {  	[smem:$0x3FB7] =	sst s9;
	s0 =	simm.s32 @!p0 $0x0  }
0x12: {  	s1 =	sld [smem:$0x3F9D];
	s0 =	simm.s32 @p0 $0x1  }
0x13: {  	[smem:$0x3FB8] =	sst s0;
	s0 =	simm.s32 @!p1 $0x0  }
0x14: {  	s2 =	sld [smem:$0x3F9C];
	s0 =	simm.s32 @p1 $0x1  }
0x15: {  	[smem:$0x3FB9] =	sst s0;
	s0 =	simm.s32 @!p2 $0x0  }
0x16: {  	s3 =	sld [smem:$0x3FDB];
	s0 =	simm.s32 @p2 $0x1  }
0x17: {  	s4 =	simm.s32 $0x1BF5;
	[smem:$0x3FBB] =	sst s0  }
0x18: {  	s0 =	sld [smem:$0x3F9E];
	_ =	swait.ge [sflag:s4], $0x0  }
0x19: {  	s7 =	sld [smem:$0x3F9F]  }
0x1a: {  	s8 =	sadd.s32 $0xFFFFE003, lr  }
0x1b: {  	s9 =	sadd.s32 $0xFFFFFEF7, lr;
	s5 =	simm.s32 $0xFFFFFFFF;
	p2 =	slt.u32 s8, $0xFFFFF086  }
0x1c: {  	p1 =	slt.u32 s9, $0xF7A;
	s5 =	simm.s32 @!p2 $0x0  }
0x1d: {  	s5 =	simm.s32 @p1 $0x1;
	p0 =	seq.s32 s7, s2  }
0x1e: {  	s7 =	smul.u32 @!p0 $0xF7A, s2;
	p2 =	seq.s32 @!p0 s5, $0x0  }
0x1f: {  	s9 =	smul.u32 $0xF7A, s1;
	s8 =	simm.s32 @!p0 $0x1BF5;
	p2 =	por !p2, p0  }
0x20: {  	[sflag:s8] =	ssyncset.s32 @!p0 $0xFFFFF086;
	s6 =	sadd.s32 @!p0 s3, s7;
	s7 =	simm.s32 @!p0 $0x108  }
0x21: {  	s3 =	sadd.s32 s3, s9;
	s6 =	sadd.s32 @!p0 $0x88, s6;
	s7 =	simm.s32 @p2 $0x1082  }
0x22: {  	[simem:s7], [sflag:s8] =	dma.local @!p0 [hbm:s6], $0xF7A  }
0x23: {  	s9 =	sor.u32 $0xD0000000, s2;
	s6 =	simm.s32 $0x108;
	_ =	swait.ge @!p0 [sflag:s8], $0x0  }
0x24: {  	s3 =	sadd.s32 $0x88, s3;
	s6 =	simm.s32 @!p1 $0x1082;
	[sflag:s4] =	ssyncset.s32 $0xFFFFF086  }
0x25: {  	[simem:s6], [sflag:s4] =	dma.local [hbm:s3], $0xF7A  }
0x26: {  	[smem:$0x3F9F] =	sst s1;
	(tag) =	ssettag s2;
	_ =	strace s9  }
0x27: {  	s1 =	sld [smem:$0x3FAF]  }
0x28: {  	s2 =	sld [smem:$0x3FB0]  }
0x29: {  	s4 =	sld [smem:$0x3FB2]  }
0x2a: {  	p0 =	seq.s32 s5, $0x0;
	s5 =	sld [smem:$0x3FB3]  }
0x2b: {  	s6 =	sld [smem:$0x3FB4]  }
0x2c: {  	s7 =	sld [smem:$0x3FB5]  }
0x2d: {  	s3 =	simm.s32 $0x108;
	s8 =	sld [smem:$0x3FB6]  }
0x2e: {  	s3 =	simm.s32 @!p0 $0x1082;
	s9 =	sld [smem:$0x3FB7]  }
0x2f: {  	lr =	sadd.s32 s0, s3;
	s0 =	sld [smem:$0x3FAE]  }
0x30: {  	s3 =	sld [smem:$0x3FB1]  }
0x31: {  	[smem:$0x3FBA] =	sst s10  }
0x32: {  	s10 =	sld [smem:$0x3FB8];
	_ =	sdelay $0x3  }
0x33: {  	p0 =	seq.s32 s10, $0x1;
	s10 =	sld [smem:$0x3FBA];
	_ =	sdelay $0x3  }
0x34: {  	[smem:$0x3FBA] =	sst s10  }
0x35: {  	s10 =	sld [smem:$0x3FB9];
	_ =	sdelay $0x3  }
0x36: {  	p1 =	seq.s32 s10, $0x1;
	s10 =	sld [smem:$0x3FBA];
	_ =	sdelay $0x3  }
0x37: {  	[smem:$0x3FBA] =	sst s10  }
0x38: {  	s10 =	sld [smem:$0x3FBB]  }
0x39: {  	_ = 	snop;
	(pc) =	sbr.ind lr, $3  }
0x3a: {  	_ = 	snop  }
0x3b: {  	_ = 	snop  }
0x3c: {  	p2 =	seq.s32 s10, $0x1;
	s10 =	sld [smem:$0x3FBA]  }
0x3d: {  	_ =	shalt  }
0x3e: {  	_ =	shalt  }
0x3f: {  	_ =	shalt  }
0x40: {  	_ =	shalt  }
0x41: {  	_ =	shalt  }
0x42: {  	_ =	shalt  }
0x43: {  	_ =	shalt  }
0x44: {  	_ =	shalt  }
0x45: {  	_ =	shalt  }
0x46: {  	_ =	shalt  }
0x47: {  	_ =	shalt  }
0x48: {  	_ =	shalt  }
0x49: {  	_ =	shalt  }
0x4a: {  	_ =	shalt  }
0x4b: {  	_ =	shalt  }
0x4c: {  	_ =	shalt  }
0x4d: {  	_ =	shalt  }
0x4e: {  	_ =	shalt  }
0x4f: {  	_ =	shalt  }
0x50: {  	_ =	shalt  }
0x51: {  	_ =	shalt  }
0x52: {  	_ =	shalt  }
0x53: {  	_ =	shalt  }
0x54: {  	_ =	shalt  }
0x55: {  	_ =	shalt  }
0x56: {  	_ =	shalt  }
0x57: {  	_ =	shalt  }
0x58: {  	_ =	shalt  }
0x59: {  	_ =	shalt  }
0x5a: {  	_ =	shalt  }
0x5b: {  	_ =	shalt  }
0x5c: {  	_ =	shalt  }
0x5d: {  	_ =	shalt  }
0x5e: {  	_ =	shalt  }
0x5f: {  	_ =	shalt  }
0x60: {  	_ =	shalt  }
0x61: {  	_ =	shalt  }
0x62: {  	_ =	shalt  }
0x63: {  	_ =	shalt  }
0x64: {  	_ =	shalt  }
0x65: {  	_ =	shalt  }
0x66: {  	_ =	shalt  }
0x67: {  	_ =	shalt  }
0x68: {  	_ =	shalt  }
0x69: {  	_ =	shalt  }
0x6a: {  	_ =	shalt  }
0x6b: {  	_ =	shalt  }
0x6c: {  	_ =	shalt  }
0x6d: {  	_ =	shalt  }
0x6e: {  	_ =	shalt  }
0x6f: {  	_ =	shalt  }
0x70: {  	_ =	shalt  }
0x71: {  	_ =	shalt  }
0x72: {  	_ =	shalt  }
0x73: {  	_ =	shalt  }
0x74: {  	_ =	shalt  }
0x75: {  	_ =	shalt  }
0x76: {  	_ =	shalt  }
0x77: {  	_ =	shalt  }
0x78: {  	_ =	shalt  }
0x79: {  	_ =	shalt  }
0x7a: {  	_ =	shalt  }
0x7b: {  	_ =	shalt  }
0x7c: {  	_ =	shalt  }
0x7d: {  	_ =	shalt  }
0x7e: {  	_ =	shalt  }
0x7f: {  	_ =	shalt  }
0x80: {  	_ =	shalt  }
0x81: {  	_ =	shalt  }
0x82: {  	_ =	shalt  }
0x83: {  	_ =	shalt  }
0x84: {  	_ =	shalt  }
0x85: {  	_ =	shalt  }
0x86: {  	_ =	shalt  }
0x87: {  	_ =	shalt  }
.Lfunc_end0:
.L_simem_size_0:
called_computation_lowered:
.L_overlay_start_0:
0x88: {  	s2 =	sld [smem:$0x3FD9]  }
0x89: {  	s3 =	sld [smem:$0x3FFE];
	_ =	sdelay $0x1  }
0x8a: {  	s1 =	srdreg.scid  }
0x8b: {  	s0 =	sand.u32 $0x1, s1  }
0x8c: {  	s14 =	sshll.u32 s0, $0xA;
	s2 =	sadd.s32 s3, s2  }
0x8d: {  	s2 =	sadd.s32 s2, s14  }
0x8e: {  	[smem:$0x3FC6] =	sst s2  }
0x8f: {  	_ = 	snop  }
0x90: {  	s2 =	sld [smem:$0x3FD0];
	_ =	sdelay $0x2  }
0x91: {  	s15 =	simm.s32 $0xA;
	s4 =	simm.s32 $0x10  }
0x92: {  	[smem:s4], [sflag:s15] =	dma.local [hbm:s2], $0x1  }
0x93: {  	_ =	swait.eq [sflag:s15], $0x1  }
0x94: {  	[sflag:s15] =	ssyncset.done $0x0  }
0x95: {  	[sflag:s15] =	ssyncadd.s32 $0xFFFFFFFF  }
0x96: {  	s16 =	sld [smem:$0x10];
	(tm) =	ssettm $0x1  }
0x97: {  	s17 =	sld [smem:$0x3FFB];
	_ =	sdelay $0x3  }
0x98: {  	_ =	strace s17  }
0x99: {  	s3 =	sld [smem:$0x3FFC];
	_ =	sdelay $0x3  }
0x9a: {  	_ =	strace s3  }
0x9b: {  	s3 =	sld [smem:$0x3FFD];
	_ =	sdelay $0x3  }
0x9c: {  	_ =	strace s3  }
0x9d: {  	_ =	strace $0x8FFFFFFF  }
0x9e: {  	s18 =	sld [smem:$0x3FDB];
	_ =	sdelay $0x1  }
0x9f: {  	s19 =	simm.s32 $_scs_section_size  }
0xa0: {  	s5 =	simm.s32 $_size__tile_overlayer_lowered;
	s6 =	simm.s32 $_tile_overlayer_lowered  }
0xa1: {  	s22 =	simm.s32 $0x1BFF;
	s21 =	sshll.u32 s6, $0x1;
	s3 =	sadd.s32 s19, s18  }
0xa2: {  	s7 =	simm.s32 $0x0;
	s20 =	sshll.u32 s5, $0x1;
	s5 =	sadd.s32 s21, s3  }
0xa3: {  	[timem:s7], [sflag:s22] =	dma.local [hbm:s5], s20  }
0xa4: {  	_ =	swait.ge [sflag:s22], s20  }
0xa5: {  	s4 =	ssub.s32 $0x0, s20;
	[sflag:s22] =	ssyncset.done $0x0  }
0xa6: {  	[sflag:s22] =	ssyncadd.s32 s4;
	_ =	sdelay $0x1  }
0xa7: {  	s23 =	simm.s32 $0x1B8B  }
0xa8: {  	_ =	swait.ge [sflag:s23], $0x1  }
0xa9: {  	[sflag:s23] =	ssyncset.done $0x0  }
0xaa: {  	s25 =	simm.s32 $0x1B8E;
	s24 =	sld [smem:$0x3FFE];
	[sflag:s23] =	ssyncadd.s32 $0xFFFFFFFF  }
0xab: {  	s26 =	simm.s32 $execute0_lowered;
	[smem:$0x3FD2] =	sst s25  }
0xac: {  	s5 =	sshll.u32 s26, $0x1;
	_ =	strace $0x80000046;
	[dreg:$0x1] =	wrdreg $0xFFFFFFFF  }
0xad: {  	s28 =	simm.s32 $_size_execute0_lowered;
	s3 =	sadd.s32 s3, s5;
	[dreg:$0x0] =	wrdreg $0x0  }
0xae: {  	s5 =	sshll.u32 s28, $0x1;
	[dreg:$0x2] =	wrdreg s3  }
0xaf: {  	[dreg:$0x3] =	wrdreg s5  }
0xb0: {  	[dreg:$0x4] =	wrdreg $0xC0  }
0xb1: {  	_ =	task [dreg:s7], $0x5FFFF  }
0xb2: {  	[dreg:$0x1] =	wrdreg $0xFFFFFFFF  }
0xb3: {  	[dreg:$0x0] =	wrdreg $0x60  }
0xb4: {  	[dreg:$0x2] =	wrdreg s16  }
0xb5: {  	[dreg:$0x3] =	wrdreg s24  }
0xb6: {  	[dreg:$0x4] =	wrdreg $0x9  }
0xb7: {  	_ =	task.clear_ibuf [dreg:s7], $0x5FFFF;
	_ =	strace $0x90000046  }
0xb8: {  	s29 =	simm.s32 $0x9;
	_ =	strace $0x80000048  }
0xb9: {  	_ =	swait.ge [sflag:s29], $0x1  }
0xba: {  	[sflag:s29] =	ssyncadd.s32 $0xFFFFFFFF  }
0xbb: {  	_ =	strace $0x90000048  }
0xbc: {  	_ =	sfence  }
0xbd: {  	s30 =	sld [smem:$0x0];
	_ =	sdelay $0x2  }
0xbe: {  	s31 =	sshll.u32 s1, $0xD;
	s1 =	sshrl.u32 s1, $0x2  }
0xbf: {  	s3 =	sand.u32 $0x4000, s31;
	s1 =	sadd.s32 s1, s30  }
0xc0: {  	s0 =	sor.u32 s3, s0;
	s1 =	sshll.u32 s1, $0x11  }
0xc1: {  	s0 =	sor.u32 s1, s0  }
0xc2: {  	s0 =	sadd.s32 $0x8F2B, s0  }
0xc3: {  	[sflag:s0] =	ssyncadd.remote.s32 $0x1  }
0xc4: {  	_ =	sfence.sel $0xFFFF  }
0xc5: {  	[dreg:$0x0] =	wrdreg $0xFFFFFFFF;
	(pc) =	sbr.abs _section_cstart, $3  }
0xc6: {  	[dreg:$0x1] =	wrdreg $0xFFFFFFFF  }
0xc7: {  	_ =	task.clear_ibuf [dreg:s7], $0x2FFFF;
	_ =	strace $0x9FFFFFFF  }
0xc8: {  	(tm) =	ssettm $0x7FFFFFFF  }
0xc9: {  	_ =	shalt  }
tec
execute0_lowered:
.L_overlay_start_1:
0x0: {  	(tag) =	ssettag $0x1  }
0x1: {  	s1 =	srdreg.scid;
	s0 =	stileid.u32  }
0x2: {  	s4 =	sand.u32 $0x1, s1;
	s29 =	sshll.u32 s0, $0x1  }
0x3: {  	s2 =	rddreg [dreg:$0x0];
	s5 =	sor.u32 s4, s29  }
0x4: {  	s6 =	rddreg [dreg:$0x1];
	p1 =	seq.s32 s4, $0x1;
	p0 =	seq.s32 s5, $0x0  }
0x5: {  	s3 =	simm.s32 $0x0;
	s7 =	simm.s32 $0x1;
	p0 =	por !p0, !p1  }
0x6: {  	s10 =	simm.s32 $0x8200;
	s1 =	rddreg [dreg:$0x2];
	p0 =	por !p0, !p0  }
0x7: {  	s11 =	simm.s32 $0x0;
	[smem:$0x7FF] =	sst s3;
	s7 =	simm.s32 @!p0 $0x0  }
0x8: {  	_ =	strace $0x80000047;
	s8 =	sshll.u32 s4, $0x9;
	s7 =	ssub.s32 s0, s7  }
0x9: {  	s30 =	ssub.s32 $0x2, s4;
	s4 =	simm.s32 $0x1;
	s7 =	sshll.u32 s7, $0x10  }
0xa: {  	v0 =	vlaneseq.u32;
	s5 =	sshll.u32 s5, $0x6;
	s9 =	sshrl.u32 s30, $0x1;
	s7 =	sor.u32 s8, s7  }
0xb: {  	v0 =	vmul.u32 $0x208, v0;
	s5 =	sadd.s32 s5, s6;
	s31 =	ssub.s32 s30, s9;
	s7 =	sshrl.u32 s7, $0x3  }
0xc: {  	s9 =	simm.s32 $0x200;
	s5 =	sadd.s32 $0xE00, s5;
	s6 =	sadd.s32 s7, s6  }
0xd: {  	v1 =	vadd.s32 $0x2080, v0;
	v2 =	vadd.s32 $0x4100, v0;
	v3 =	vadd.s32 $0x6180, v0;
	s8 =	simm.s32 $0x2;
	s7 =	smax.u32 s31, $0x1;
	s6 =	sadd.s32 $0x1600, s6  }
.LBB2_1:
0xe: {  	[tilespmem:s3], [sflag:$0x2] =	stream.linear.gather [hbm4b:s5+s3], $0x200, $0x38;
	[tilespmem:$0x10400] =	vst v63  }
0xf: {  	_ =	swait.ge [sflag:s8], $0x200  }
0x10: {  	[sflag:s8] =	ssyncset.done $0x0  }
0x11: {  	[sflag:s8] =	ssyncadd.s32 $0xFFFFFE00  }
0x12: {  	[tilespmem:s9], [sflag:$0x1] =	stream.indirect.gather [hbm4b:s2+s9], $0x40, s3, s9, $0xb8;
	[tilespmem:$0x10400] =	vst v63  }
0x13: {  	s12 =	simm.s32 $0x3;
	_ =	swait.ge [sflag:s4], $0x8000  }
0x14: {  	v4 =	vmov s12;
	[sflag:s4] =	ssyncset.done $0x0  }
0x15: {  	s13 =	simm.s32 $0x280;
	s26 =	simm.s32 $0x1;
	v5 =	vand.u32 $0x1FF, v4;
	v4 =	vmov s3;
	[sflag:s4] =	ssyncadd.s32 $0xFFFF8000  }
0x16: {  	v8 =	vadd.s32 v0, v5;
	v6 =	vand.u32 $0x1FC, v4;
	v4 =	vmov s26;
	v7 =	vld [tilespmem:s13+$0x40]  }
0x17: {  	v10 =	vadd.s32 v0, v6;
	v11 =	vand.u32 $0x1FD, v4;
	v9 =	vld [tilespmem:s13+$0xFFFFFF80]  }
0x18: {  	s28 =	simm.s32 $0x2;
	v12 =	vadd.s32 v0, v11;
	v4 =	vld [tilespmem:s13+$0xFFFFFFC0]  }
0x19: {  	v13 =	vmov s28  }
0x1a: {  	v13 =	vand.u32 $0x1FE, v13  }
0x1b: {  	v15 =	vadd.s32 v0, v13;
	v14 =	vld [tilespmem:s13+$0x0];
	[tilespmem:v8+s10+$0x0] =	vst.idx.msk $0xffff, v7  }
0x1c: {  	v8 =	vadd.s32 v1, v5;
	[tilespmem:v10+s10+$0x0] =	vst.idx.msk $0xffff, v9;
	v7 =	vld [tilespmem:s13+$0x50]  }
0x1d: {  	v10 =	vadd.s32 v1, v6;
	[tilespmem:v12+s10+$0x0] =	vst.idx.msk $0xffff, v4;
	v9 =	vld [tilespmem:s13+$0xFFFFFF90]  }
0x1e: {  	v12 =	vadd.s32 v1, v11;
	v4 =	vld [tilespmem:s13+$0xFFFFFFD0];
	_ =	sdelay $0x1  }
0x1f: {  	[tilespmem:v15+s10+$0x0] =	vst.idx.msk $0xffff, v14  }
0x20: {  	v16 =	vadd.s32 v1, v13;
	v15 =	vld [tilespmem:s13+$0x10];
	[tilespmem:v8+s10+$0x0] =	vst.idx.msk $0xffff, v7  }
0x21: {  	s29 =	simm.s32 $0x7;
	v14 =	vadd.s32 v2, v5;
	[tilespmem:v10+s10+$0x0] =	vst.idx.msk $0xffff, v9;
	v7 =	vld [tilespmem:s13+$0x60]  }
0x22: {  	v10 =	vadd.s32 v2, v6;
	v8 =	vmov s29;
	[tilespmem:v12+s10+$0x0] =	vst.idx.msk $0xffff, v4;
	v9 =	vld [tilespmem:s13+$0xFFFFFFA0]  }
0x23: {  	s12 =	simm.s32 $0x380;
	v17 =	vadd.s32 v2, v11;
	v8 =	vand.u32 $0x1FF, v8;
	v12 =	vld [tilespmem:s13+$0xFFFFFFE0]  }
0x24: {  	s14 =	simm.s32 $0x4;
	v18 =	vld [tilespmem:s12+$0x40];
	v19 =	vadd.s32 v0, v8  }
0x25: {  	s30 =	simm.s32 $0x5;
	v4 =	vmov s14;
	[tilespmem:v16+s10+$0x0] =	vst.idx.msk $0xffff, v15  }
0x26: {  	v22 =	vmov s30;
	v4 =	vand.u32 $0x1FC, v4;
	[tilespmem:v14+s10+$0x0] =	vst.idx.msk $0xffff, v7  }
0x27: {  	s31 =	simm.s32 $0x6;
	v20 =	vld [tilespmem:s12+$0xFFFFFF80];
	v21 =	vadd.s32 v0, v4;
	v7 =	vand.u32 $0x1FD, v22;
	[tilespmem:v10+s10+$0x0] =	vst.idx.msk $0xffff, v9  }
0x28: {  	v14 =	vmov s31;
	v9 =	vld [tilespmem:s12+$0xFFFFFFC0];
	[tilespmem:v17+s10+$0x0] =	vst.idx.msk $0xffff, v12;
	v10 =	vadd.s32 v0, v7  }
0x29: {  	v16 =	vadd.s32 v3, v5;
	v12 =	vld [tilespmem:s13+$0x20];
	v5 =	vand.u32 $0x1FE, v14;
	[tilespmem:v19+s10+$0x0] =	vst.idx.msk $0xffff, v18;
	v18 =	vadd.s32 v2, v13  }
0x2a: {  	v14 =	vld [tilespmem:s12+$0x0];
	v63 =	vadd.s32 v0, v5  }
0x2b: {  	v15 =	vld [tilespmem:s13+$0x70]  }
0x2c: {  	[tilespmem:v21+s10+$0x0] =	vst.idx.msk $0xffff, v20;
	v20 =	vadd.s32 v1, v8;
	v19 =	vld [tilespmem:s12+$0x50]  }
0x2d: {  	v23 =	vadd.s32 v1, v4;
	v21 =	vld [tilespmem:s12+$0xFFFFFF90];
	[tilespmem:v10+s10+$0x0] =	vst.idx.msk $0xffff, v9  }
0x2e: {  	v25 =	vadd.s32 v3, v11;
	v24 =	vld [tilespmem:s13+$0xFFFFFFF0];
	[tilespmem:v18+s10+$0x0] =	vst.idx.msk $0xffff, v12  }
0x2f: {  	v18 =	vadd.s32 v1, v7;
	v17 =	vld [tilespmem:s12+$0xFFFFFFD0];
	[tilespmem:v63+s10+$0x0] =	vst.idx.msk $0xffff, v14  }
0x30: {  	[tilespmem:v16+s10+$0x0] =	vst.idx.msk $0xffff, v15;
	v16 =	vadd.s32 v1, v5;
	v15 =	vld [tilespmem:s12+$0x10]  }
0x31: {  	[tilespmem:v20+s10+$0x0] =	vst.idx.msk $0xffff, v19;
	v11 =	vld [tilespmem:s13+$0x30];
	v14 =	vadd.s32 v3, v13  }
0x32: {  	v12 =	vadd.s32 v2, v8;
	[tilespmem:v23+s10+$0x0] =	vst.idx.msk $0xffff, v21;
	v9 =	vld [tilespmem:s12+$0x60]  }
0x33: {  	s16 =	simm.s32 $0xB;
	s15 =	simm.s32 $0xC;
	s14 =	simm.s32 $0x8;
	[tilespmem:v25+s10+$0x0] =	vst.idx.msk $0xffff, v24;
	v13 =	vadd.s32 v2, v4;
	v10 =	vld [tilespmem:s12+$0xFFFFFFA0]  }
.LBB2_2:
0x34: {  	p0 =	slt.u32 s15, $0x1FC;
	v19 =	vmov s16;
	[tilespmem:v18+s10+$0x0] =	vst.idx.msk $0xffff, v17;
	v17 =	vld [tilespmem:s13+$0xFFFFFFB0];
	v18 =	vadd.s32 v3, v6;
	v6 =	vmov v4;
	s13 =	smov.u32 s12  }
0x35: {  	v4 =	vmov s14;
	v21 =	vadd.s32 v2, v7;
	s12 =	sadd.s32 $0x100, s12;
	v19 =	vand.u32 $0x1FF, v19;
	v20 =	vld [tilespmem:s13+$0xFFFFFFE0];
	[tilespmem:v16+s10+$0x0] =	vst.idx.msk $0xffff, v15  }
0x36: {  	s16 =	sadd.s32 $0x1, s14;
	v4 =	vand.u32 $0x1FC, v4;
	v15 =	vld [tilespmem:s12+$0x40];
	v16 =	vadd.s32 v0, v19;
	[tilespmem:v14+s10+$0x0] =	vst.idx.msk $0xffff, v11  }
0x37: {  	v22 =	vmov s16;
	s16 =	sadd.s32 $0x2, s14;
	s14 =	smov.u32 s15;
	v14 =	vadd.s32 v0, v4;
	v11 =	vld [tilespmem:s12+$0xFFFFFF80];
	[tilespmem:v12+s10+$0x0] =	vst.idx.msk $0xffff, v9  }
0x38: {  	v9 =	vand.u32 $0x1FD, v22;
	v12 =	vmov s16;
	[tilespmem:v13+s10+$0x0] =	vst.idx.msk $0xffff, v10;
	v10 =	vld [tilespmem:s13+$0x70];
	v13 =	vadd.s32 v3, v8;
	v8 =	vmovc v19  }
0x39: {  	v22 =	vadd.s32 v0, v9;
	v12 =	vand.u32 $0x1FE, v12;
	v19 =	vld [tilespmem:s12+$0xFFFFFFC0];
	[tilespmem:v18+s10+$0x0] =	vst.idx.msk $0xffff, v17  }
0x3a: {  	v24 =	vadd.s32 v0, v12;
	v23 =	vld [tilespmem:s12+$0x0];
	[tilespmem:v21+s10+$0x0] =	vst.idx.msk $0xffff, v20  }
0x3b: {  	v21 =	vadd.s32 v2, v5;
	[tilespmem:v16+s10+$0x0] =	vst.idx.msk $0xffff, v15;
	v20 =	vld [tilespmem:s13+$0x20]  }
0x3c: {  	[tilespmem:v14+s10+$0x0] =	vst.idx.msk $0xffff, v11;
	v11 =	vld [tilespmem:s12+$0x50];
	v14 =	vadd.s32 v1, v8  }
0x3d: {  	v26 =	vadd.s32 v1, v4;
	v25 =	vld [tilespmem:s12+$0xFFFFFF90];
	[tilespmem:v13+s10+$0x0] =	vst.idx.msk $0xffff, v10  }
0x3e: {  	[tilespmem:v22+s10+$0x0] =	vst.idx.msk $0xffff, v19;
	v19 =	vld [tilespmem:s13+$0xFFFFFFF0];
	v22 =	vadd.s32 v3, v7;
	v7 =	vmov v9  }
.Ltmp0:
0x3f: {  	v17 =	vld [tilespmem:s12+$0xFFFFFFD0];
	v18 =	vadd.s32 v1, v7;
	[tilespmem:v24+s10+$0x0] =	vst.idx.msk $0xffff, v23;
	(pc) =	sbr.rel @p0 .LBB2_2-.Ltmp0, $4  }
0x40: {  	v16 =	vadd.s32 v1, v12;
	v15 =	vld [tilespmem:s12+$0x10];
	[tilespmem:v21+s10+$0x0] =	vst.idx.msk $0xffff, v20  }
0x41: {  	[tilespmem:v14+s10+$0x0] =	vst.idx.msk $0xffff, v11;
	v11 =	vld [tilespmem:s13+$0x30];
	v14 =	vadd.s32 v3, v5;
	v5 =	vmov v12  }
0x42: {  	v12 =	vadd.s32 v2, v8;
	[tilespmem:v26+s10+$0x0] =	vst.idx.msk $0xffff, v25;
	v9 =	vld [tilespmem:s12+$0x60]  }
0x43: {  	s15 =	sadd.s32 $0x4, s15;
	s16 =	sadd.s32 $0x3, s14;
	v13 =	vadd.s32 v2, v4;
	v10 =	vld [tilespmem:s12+$0xFFFFFFA0];
	[tilespmem:v22+s10+$0x0] =	vst.idx.msk $0xffff, v19  }
0x44: {  	_ =	sdelay $0x2  }
0x45: {  	v19 =	vmov s16  }
0x46: {  	s15 =	sadd.s32 $0x1, s14;
	[tilespmem:v18+s10+$0x0] =	vst.idx.msk $0xffff, v17;
	v30 =	vld [tilespmem:s13+$0xFFFFFFB0];
	v6 =	vadd.s32 v3, v6;
	s30 =	sadd.s32 $0x100, s12;
	v21 =	vmov s14;
	v31 =	vand.u32 $0x1FF, v19  }
0x47: {  	s31 =	sadd.s32 $0x2, s14;
	v32 =	vmov s15;
	[tilespmem:v16+s10+$0x0] =	vst.idx.msk $0xffff, v15;
	v33 =	vld [tilespmem:s30+$0x40];
	v21 =	vand.u32 $0x1FC, v21;
	v34 =	vadd.s32 v0, v31  }
0x48: {  	v20 =	vmov s31;
	v22 =	vld [tilespmem:s30+$0xFFFFFF80];
	v19 =	vand.u32 $0x1FD, v32;
	[tilespmem:v14+s10+$0x0] =	vst.idx.msk $0xffff, v11;
	v39 =	vadd.s32 v0, v21  }
0x49: {  	v35 =	vld [tilespmem:s30+$0xFFFFFFC0];
	v20 =	vand.u32 $0x1FE, v20;
	v36 =	vadd.s32 v0, v19;
	[tilespmem:v12+s10+$0x0] =	vst.idx.msk $0xffff, v9  }
0x4a: {  	v37 =	vld [tilespmem:s30+$0x0];
	v38 =	vadd.s32 v0, v20;
	[tilespmem:v13+s10+$0x0] =	vst.idx.msk $0xffff, v10  }
0x4b: {  	v41 =	vadd.s32 v2, v7;
	v40 =	vld [tilespmem:s12+$0xFFFFFFE0];
	[tilespmem:v6+s10+$0x0] =	vst.idx.msk $0xffff, v30  }
0x4c: {  	v49 =	vadd.s32 v2, v5;
	v48 =	vld [tilespmem:s12+$0x20];
	[tilespmem:v34+s10+$0x0] =	vst.idx.msk $0xffff, v33  }
0x4d: {  	v43 =	vadd.s32 v1, v31;
	[tilespmem:v39+s10+$0x0] =	vst.idx.msk $0xffff, v22;
	v15 =	vld [tilespmem:s30+$0x50]  }
0x4e: {  	v47 =	vadd.s32 v1, v21;
	[tilespmem:v36+s10+$0x0] =	vst.idx.msk $0xffff, v35;
	v46 =	vld [tilespmem:s30+$0xFFFFFF90]  }
0x4f: {  	v44 =	vadd.s32 v1, v19;
	[tilespmem:v38+s10+$0x0] =	vst.idx.msk $0xffff, v37;
	v11 =	vld [tilespmem:s30+$0xFFFFFFD0]  }
0x50: {  	v45 =	vadd.s32 v1, v20;
	[tilespmem:v41+s10+$0x0] =	vst.idx.msk $0xffff, v40;
	v9 =	vld [tilespmem:s30+$0x10]  }
0x51: {  	v8 =	vadd.s32 v3, v8;
	v42 =	vld [tilespmem:s12+$0x70];
	[tilespmem:v49+s10+$0x0] =	vst.idx.msk $0xffff, v48  }
0x52: {  	v5 =	vadd.s32 v3, v5;
	v13 =	vld [tilespmem:s12+$0x30];
	[tilespmem:v43+s10+$0x0] =	vst.idx.msk $0xffff, v15  }
0x53: {  	v52 =	vadd.s32 v2, v31;
	[tilespmem:v47+s10+$0x0] =	vst.idx.msk $0xffff, v46;
	v15 =	vld [tilespmem:s30+$0x60]  }
0x54: {  	v57 =	vadd.s32 v2, v21;
	[tilespmem:v44+s10+$0x0] =	vst.idx.msk $0xffff, v11;
	v56 =	vld [tilespmem:s30+$0xFFFFFFA0]  }
0x55: {  	v53 =	vadd.s32 v2, v19;
	[tilespmem:v45+s10+$0x0] =	vst.idx.msk $0xffff, v9;
	v11 =	vld [tilespmem:s30+$0xFFFFFFE0]  }
0x56: {  	v55 =	vadd.s32 v2, v20;
	[tilespmem:v8+s10+$0x0] =	vst.idx.msk $0xffff, v42;
	v54 =	vld [tilespmem:s30+$0x20]  }
0x57: {  	v4 =	vadd.s32 v3, v4;
	v58 =	vld [tilespmem:s12+$0xFFFFFFB0];
	[tilespmem:v5+s10+$0x0] =	vst.idx.msk $0xffff, v13  }
0x58: {  	v51 =	vadd.s32 v3, v7;
	v50 =	vld [tilespmem:s12+$0xFFFFFFF0];
	[tilespmem:v52+s10+$0x0] =	vst.idx.msk $0xffff, v15  }
0x59: {  	v60 =	vadd.s32 v3, v31;
	[tilespmem:v57+s10+$0x0] =	vst.idx.msk $0xffff, v56;
	v59 =	vld [tilespmem:s30+$0x70]  }
0x5a: {  	v63 =	vadd.s32 v3, v21;
	[tilespmem:v53+s10+$0x0] =	vst.idx.msk $0xffff, v11;
	v5 =	vld [tilespmem:s30+$0xFFFFFFB0]  }
0x5b: {  	v61 =	vadd.s32 v3, v19;
	[tilespmem:v55+s10+$0x0] =	vst.idx.msk $0xffff, v54;
	v11 =	vld [tilespmem:s30+$0xFFFFFFF0]  }
0x5c: {  	v62 =	vadd.s32 v3, v20;
	[tilespmem:v4+s10+$0x0] =	vst.idx.msk $0xffff, v58;
	v6 =	vld [tilespmem:s30+$0x30]  }
0x5d: {  	[tilespmem:v51+s10+$0x0] =	vst.idx.msk $0xffff, v50  }
0x5e: {  	[tilespmem:v60+s10+$0x0] =	vst.idx.msk $0xffff, v59  }
0x5f: {  	[tilespmem:v63+s10+$0x0] =	vst.idx.msk $0xffff, v5  }
0x60: {  	s13 =	simm.s32 $0x80;
	[tilespmem:v61+s10+$0x0] =	vst.idx.msk $0xffff, v11  }
0x61: {  	s14 =	simm.s32 $0x8408;
	s15 =	sadd.s32 $0x0, s6;
	s12 =	simm.s32 $0x8200;
	[tilespmem:v62+s10+$0x0] =	vst.idx.msk $0xffff, v6  }
.LBB2_4:
0x62: {  	[hbm4b:s15+s3] =	stream.linear.scatter [tilespmem:s12], [sflag:$0x2], $0x200, $0x38;
	[tilespmem:$0x10400] =	vst v63  }
0x63: {  	s15 =	smov.u32 s13;
	s12 =	smov.u32 s14;
	p0 =	sne.s32 s13, $0x1F80  }
.Ltmp1:
0x64: {  	s13 =	sadd.s32 $0x80, s13;
	(pc) =	sbr.rel @p0 .LBB2_4-.Ltmp1, $2  }
0x65: {  	_ =	sdelay $0x2  }
0x66: {  	s14 =	sadd.s32 $0x208, s14;
	s15 =	sadd.s32 s15, s6  }
0x67: {  	s11 =	sadd.s32 $0x1, s11  }
0x68: {  	p0 =	sne.s32 s11, s7  }
.Ltmp2:
0x69: {  	_ = 	snop;
	(pc) =	sbr.rel @p0 .LBB2_1-.Ltmp2, $4  }
0x6a: {  	[hbm4b:s15+s3] =	stream.linear.scatter [tilespmem:s12], [sflag:$0x2], $0x200, $0x38;
	[tilespmem:$0x10400] =	vst v63  }
0x6b: {  	_ =	swait.ge [sflag:s8], $0x8000  }
0x6c: {  	[sflag:s8] =	ssyncset.done $0x0  }
0x6d: {  	[sflag:s8] =	ssyncadd.s32 $0xFFFF8000  }
0x6e: {  	_ =	sfence.sel $0x180000  }
0x6f: {  	[bflag:$0x0] =	sbarrier.arrive $0xFFFF  }
0x70: {  	p0 =	sne.s32 s0, $0x0;
	_ =	strace $0x90000047  }
0x71: {  	s0 =	sadd.s32 @!p0 $0x100000, s1;
	[bflag:$0x2] =	sbarrier.arrive $0xFFFF  }
0x72: {  	[sflag:s0] =	ssyncadd.tile.s32 @!p0 $0x1;
	_ =	shalt  }
.Lfunc_end2:
_tile_overlayer_lowered:
.L_overlay_start_2:
0x73: {  	(tag) =	ssettag $0x2  }
0x74: {  	s0 =	rddreg [dreg:$0x0];
	s2 =	stileid.u32  }
0x75: {  	s1 =	rddreg [dreg:$0x1];
	p0 =	sne.s32 s2, $0x0  }
0x76: {  	s3 =	rddreg [dreg:$0x2];
	[bflag:$0x3] =	sbarrier.arrive $0xFFFF;
	s2 =	simm.s32 @!p0 $0x1C02  }
0x77: {  	[timem:s3], [sflag:s2] =	dma.local @!p0 [hbm:s0], s1  }
0x78: {  	s0 =	simm.s32 @!p0 $0x2  }
0x79: {  	_ =	swait.ge @!p0 [sflag:s0], s1  }
0x7a: {  	s1 =	ssub.s32 @!p0 $0x0, s1;
	[sflag:s0] =	ssyncset.done @!p0 $0x0  }
0x7b: {  	[sflag:s0] =	ssyncadd.s32 @!p0 s1  }
0x7c: {  	[bflag:$0x3] =	sbarrier.arrive $0xFFFF  }
0x7d: {  	_ =	shalt  }

</sc_bundles>
